<compile_context>
chip_gen: v7x
topology: tpu7x:2x2x1
jax: 0.10.2.dev20260603
libtpu: 0.0.44.dev20260713+nightly
codegen_flags: <defaults>
</compile_context>

<pallas_src>
import functools

import jax
import jax.numpy as jnp
from jax import lax
from jax.experimental import pallas as pl
from jax.experimental.pallas import tpu as pltpu
from jax.experimental.pallas import tpu_sc as plsc

N = 10000
E = 160000
D = 256
H = 128
NC = 2
NS = 16
EPT = E // NS
CH = 112
NFULL = EPT // CH
TAIL = EPT - NFULL * CH
RPT = (N // NS) // 8 * 8
REXTRA = N - NS * RPT


def _sc_agg_body(x_hbm, src_hbm, dst_hbm, out_hbm, src0, dst0, rows0, src1,
                 dst1, rows1, src2, dst2, rows2, tsrc, tdst, trows, acc, sem0,
                 sem1, sem2):
    c = lax.axis_index("c")
    s = lax.axis_index("s")
    roff = c * N

    r0 = s * RPT
    pltpu.sync_copy(x_hbm.at[pl.ds(roff + r0, RPT)], acc.at[pl.ds(r0, RPT)])

    @pl.when(s == NS - 1)
    def _init_extra():
        pltpu.sync_copy(x_hbm.at[pl.ds(roff + NS * RPT, REXTRA)],
                        acc.at[pl.ds(NS * RPT, REXTRA)])

    plsc.subcore_barrier()

    ebase = s * EPT

    def start(srcb, dstb, rowsb, semb, e0):
        pltpu.sync_copy(src_hbm.at[pl.ds(e0, CH)], srcb)
        pltpu.sync_copy(dst_hbm.at[pl.ds(e0, CH)], dstb)
        for i in range(CH // 16):
            sl = pl.ds(i * 16, 16)
            srcb[sl] = srcb[sl] + roff
        pltpu.async_copy(x_hbm.at[srcb], rowsb, semb)

    def finish(srcb, dstb, rowsb, semb):
        pltpu.make_async_copy(x_hbm.at[srcb], rowsb, semb).wait()
        pltpu.sync_copy(rowsb, acc.at[dstb], add=True)

    start(src0, dst0, rows0, sem0, ebase)
    start(src1, dst1, rows1, sem1, ebase + CH)

    @pl.loop(0, NFULL // 3)
    def _chunks(t):
        e0 = ebase + t * (3 * CH)
        pltpu.make_async_copy(x_hbm.at[src0], rows0, sem0).wait()
        start(src2, dst2, rows2, sem2, e0 + 2 * CH)
        pltpu.sync_copy(rows0, acc.at[dst0], add=True)

        pltpu.make_async_copy(x_hbm.at[src1], rows1, sem1).wait()
        start(src0, dst0, rows0, sem0, e0 + 3 * CH)
        pltpu.sync_copy(rows1, acc.at[dst1], add=True)

        pltpu.make_async_copy(x_hbm.at[src2], rows2, sem2).wait()
        start(src1, dst1, rows1, sem1, e0 + 4 * CH)
        pltpu.sync_copy(rows2, acc.at[dst2], add=True)

    finish(src0, dst0, rows0, sem0)
    finish(src1, dst1, rows1, sem1)

    if TAIL:
        e0 = ebase + NFULL * CH
        pltpu.sync_copy(src_hbm.at[pl.ds(e0, TAIL)], tsrc)
        pltpu.sync_copy(dst_hbm.at[pl.ds(e0, TAIL)], tdst)
        for i in range(TAIL // 16):
            sl = pl.ds(i * 16, 16)
            tsrc[sl] = tsrc[sl] + roff
        pltpu.async_copy(x_hbm.at[tsrc], trows, sem0).wait()
        pltpu.sync_copy(trows, acc.at[tdst], add=True)

    plsc.subcore_barrier()
    pltpu.sync_copy(acc.at[pl.ds(r0, RPT)], out_hbm.at[pl.ds(roff + r0, RPT)])

    @pl.when(s == NS - 1)
    def _out_extra():
        pltpu.sync_copy(acc.at[pl.ds(NS * RPT, REXTRA)],
                        out_hbm.at[pl.ds(roff + NS * RPT, REXTRA)])


@jax.jit
def _sc_agg(x_cat, src, dst):
    mesh = plsc.VectorSubcoreMesh(core_axis_name="c", subcore_axis_name="s")
    return pl.kernel(
        _sc_agg_body,
        out_type=jax.ShapeDtypeStruct((2 * N, H), jnp.float32),
        mesh=mesh,
        scratch_types=[
            pltpu.VMEM((CH,), jnp.int32),
            pltpu.VMEM((CH,), jnp.int32),
            pltpu.VMEM((CH, H), jnp.float32),
            pltpu.VMEM((CH,), jnp.int32),
            pltpu.VMEM((CH,), jnp.int32),
            pltpu.VMEM((CH, H), jnp.float32),
            pltpu.VMEM((CH,), jnp.int32),
            pltpu.VMEM((CH,), jnp.int32),
            pltpu.VMEM((CH, H), jnp.float32),
            pltpu.VMEM((max(TAIL, 16),), jnp.int32),
            pltpu.VMEM((max(TAIL, 16),), jnp.int32),
            pltpu.VMEM((max(TAIL, 16), H), jnp.float32),
            pltpu.VMEM_SHARED((N, H), jnp.float32),
            pltpu.SemaphoreType.DMA,
            pltpu.SemaphoreType.DMA,
            pltpu.SemaphoreType.DMA,
        ],
    )(x_cat, src, dst)


def _dense_body_split(hin_ref, w_ref, b_ref, out_ref):
    hl = hin_ref[0]
    hh = hin_ref[1]
    h = (jnp.dot(hl, w_ref[:H, :], preferred_element_type=jnp.float32)
         + jnp.dot(hh, w_ref[H:, :], preferred_element_type=jnp.float32)
         + b_ref[...])
    o = h * jax.nn.sigmoid(h)
    out_ref[0] = o[:, :H]
    out_ref[1] = o[:, H:]


def _dense_body_last(hin_ref, w_ref, b_ref, out_ref):
    hl = hin_ref[0]
    hh = hin_ref[1]
    h = (jnp.dot(hl, w_ref[:H, :], preferred_element_type=jnp.float32)
         + jnp.dot(hh, w_ref[H:, :], preferred_element_type=jnp.float32)
         + b_ref[...])
    out_ref[...] = h * jax.nn.sigmoid(h)


_RB = 2000


@functools.partial(jax.jit, static_argnames=("last",))
def _dense(hin2, w, b2, last=False):
    grid = (N // _RB,)
    in_specs = [
        pl.BlockSpec((2, _RB, H), lambda i: (0, i, 0)),
        pl.BlockSpec((D, D), lambda i: (0, 0)),
        pl.BlockSpec((1, D), lambda i: (0, 0)),
    ]
    if last:
        return pl.pallas_call(
            _dense_body_last,
            grid=grid,
            in_specs=in_specs,
            out_specs=pl.BlockSpec((_RB, D), lambda i: (i, 0)),
            out_shape=jax.ShapeDtypeStruct((N, D), jnp.float32),
        )(hin2, w, b2)
    return pl.pallas_call(
        _dense_body_split,
        grid=grid,
        in_specs=in_specs,
        out_specs=pl.BlockSpec((2, _RB, H), lambda i: (0, i, 0)),
        out_shape=jax.ShapeDtypeStruct((2, N, H), jnp.float32),
    )(hin2, w, b2)


def kernel(x, edge_index, W0, b0, W1, b1, W2, b2):
    edges = edge_index.astype(jnp.int32)
    src = edges[0]
    dst = edges[1]
    h2 = x.reshape(N, 2, H).transpose(1, 0, 2)
    params = [(W0, b0), (W1, b1), (W2, b2)]
    for li, (w, b) in enumerate(params):
        hin = _sc_agg(h2.reshape(2 * N, H), src, dst)
        h2 = _dense(hin.reshape(2, N, H), w, b.reshape(1, D), last=(li == 2))
    return h2

# --- scband reference (transcript-rebuilt; emitter-appended) ---
"""Pipeline reference for scband-gin-32246614458939 (READ-ONLY COPY).

The authoritative reference and input builder live on the scoring server;
editing this copy changes nothing except your own understanding.
"""

import jax, jax.numpy as jnp
import numpy as np

N_NODES = 10000
N_EDGES = 160000
D_IN = 256
D_MODEL = 256
NLAYER = 3


def setup_inputs(seed: int = 0) -> dict:
    key = jax.random.key(seed)
    ks = jax.random.split(key, 2 + 2 * NLAYER)
    x = jax.random.normal(ks[0], (N_NODES, D_IN), dtype=jnp.float32)
    edge_index = jax.random.randint(ks[1], (2, N_EDGES), 0, N_NODES, dtype=jnp.int64)
    inp = {"x": x, "edge_index": edge_index}
    dims = [(D_IN, D_MODEL)] + [(D_MODEL, D_MODEL)] * (NLAYER - 1)
    for i, (din, dout) in enumerate(dims):
        bound = 1.0 / np.sqrt(din)
        inp[f"W{i}"] = jax.random.uniform(ks[2 + 2 * i], (din, dout), minval=-bound, maxval=bound, dtype=jnp.float32)
        inp[f"b{i}"] = jax.random.uniform(ks[3 + 2 * i], (dout,), minval=-bound, maxval=bound, dtype=jnp.float32)
    return inp


def _gin_layer(x, src, dst, W, b):
    # GINConv with eps=0: out = nn(x + sum_{j in N(i)} x_j)
    msgs = jnp.take(x, src, axis=0)
    agg = jax.ops.segment_sum(msgs, dst, num_segments=N_NODES)
    h = x + agg
    h = h @ W + b
    return h * jax.nn.sigmoid(h)  # Swish


def reference(x, edge_index, W0, b0, W1, b1, W2, b2):
    src = edge_index[0]
    dst = edge_index[1]
    out = _gin_layer(x, src, dst, W0, b0)
    out = _gin_layer(out, src, dst, W1, b1)
    out = _gin_layer(out, src, dst, W2, b2)
    return out

if __name__ == "__main__":
    import jax
    _d = setup_inputs()
    print(jax.jit(kernel)(*tuple(_d.values())))

</pallas_src>

<mosaic_0001>
#map = affine_map<(d0, d1) -> (0, 0)>
#map1 = affine_map<(d0, d1) -> (0)>
module attributes {stable_mosaic.version = 14 : i64} {
  func.func @_sc_agg_body(%arg0: i32, %arg1: i32, %arg2: memref<20000x128xf32, #tpu.memory_space<hbm>>, %arg3: memref<160000xi32, #tpu.memory_space<hbm>>, %arg4: memref<160000xi32, #tpu.memory_space<hbm>>, %arg5: memref<20000x128xf32, #tpu.memory_space<hbm>>, %arg6: memref<112xi32, #tpu.memory_space<vmem>>, %arg7: memref<112xi32, #tpu.memory_space<vmem>>, %arg8: memref<112x128xf32, #tpu.memory_space<vmem>>, %arg9: memref<112xi32, #tpu.memory_space<vmem>>, %arg10: memref<112xi32, #tpu.memory_space<vmem>>, %arg11: memref<112x128xf32, #tpu.memory_space<vmem>>, %arg12: memref<112xi32, #tpu.memory_space<vmem>>, %arg13: memref<112xi32, #tpu.memory_space<vmem>>, %arg14: memref<112x128xf32, #tpu.memory_space<vmem>>, %arg15: memref<32xi32, #tpu.memory_space<vmem>>, %arg16: memref<32xi32, #tpu.memory_space<vmem>>, %arg17: memref<32x128xf32, #tpu.memory_space<vmem>>, %arg18: memref<10000x128xf32, #tpu.memory_space<vmem_shared>>, %arg19: memref<!tpu.dma_semaphore, #tpu.memory_space<semaphore_mem>>, %arg20: memref<!tpu.dma_semaphore, #tpu.memory_space<semaphore_mem>>, %arg21: memref<!tpu.dma_semaphore, #tpu.memory_space<semaphore_mem>>) attributes {dimension_semantics = [#tpu.dimension_semantics<core_parallel>, #tpu.dimension_semantics<subcore_parallel>], iteration_bounds = array<i64: 2, 16>, scalar_prefetch = 0 : i64, scratch_operands = 16 : i64, tpu.core_type = #tpu.core_type<sc_vector_subcore>, window_params = [{transform_indices = #map}, {transform_indices = #map1}, {transform_indices = #map1}, {transform_indices = #map}]} {
    %mul3A = arith.constant 10000 : i32
    %mul3A_0 = arith.muli %arg0, %mul3A : i32
    %mul3A_1 = arith.constant 624 : i32
    %mul3A_2 = arith.muli %arg1, %mul3A_1 : i32
    %add3A = arith.addi %mul3A_0, %mul3A_2 : i32
    "tpu.region"() ({
      %run_scoped3A = tpu.sem_alloc : memref<!tpu.dma_semaphore, #tpu.memory_space<semaphore_mem>>
      %dma_start3A_180 = arith.constant 0 : i32
      %dma_start3A_181 = tpu.memref_slice %arg18[%mul3A_2, %dma_start3A_180] : memref<10000x128xf32, #tpu.memory_space<vmem_shared>> -> memref<624x128xf32, #tpu.memory_space<vmem_shared>>
      %dma_start3A_182 = arith.constant 0 : i32
      %dma_start3A_183 = tpu.memref_slice %arg2[%add3A, %dma_start3A_182] : memref<20000x128xf32, #tpu.memory_space<hbm>> -> memref<624x128xf32, #tpu.memory_space<hbm>>
      tpu.enqueue_dma source(%dma_start3A_183 : memref<624x128xf32, #tpu.memory_space<hbm>>) target(%dma_start3A_181 : memref<624x128xf32, #tpu.memory_space<vmem_shared>>) target_semaphore(%run_scoped3A : memref<!tpu.dma_semaphore, #tpu.memory_space<semaphore_mem>>)
      %dma_wait3A_184 = arith.constant 0 : i32
      %dma_wait3A_185 = tpu.memref_slice %arg18[%mul3A_2, %dma_wait3A_184] : memref<10000x128xf32, #tpu.memory_space<vmem_shared>> -> memref<624x128xf32, #tpu.memory_space<vmem_shared>>
      %dma_wait3A_186 = arith.constant 0 : i32
      %dma_wait3A_187 = tpu.memref_slice %arg2[%add3A, %dma_wait3A_186] : memref<20000x128xf32, #tpu.memory_space<hbm>> -> memref<624x128xf32, #tpu.memory_space<hbm>>
      tpu.wait_dma2 semaphore(%run_scoped3A : memref<!tpu.dma_semaphore, #tpu.memory_space<semaphore_mem>>) src(%dma_wait3A_187 : memref<624x128xf32, #tpu.memory_space<hbm>>) dst(%dma_wait3A_185 : memref<624x128xf32, #tpu.memory_space<vmem_shared>>)
      tpu.yield
    }) : () -> ()
    %eq3A = arith.constant 15 : i32
    %eq3A_3 = arith.cmpi eq, %arg1, %eq3A : i32
    %convert_element_type3A = arith.extui %eq3A_3 : i1 to i32
    %cond3A = arith.constant 0 : i32
    %cond3A_4 = arith.cmpi ne, %convert_element_type3A, %cond3A : i32
    scf.if %cond3A_4 {
      %add3A_180 = arith.constant 9984 : i32
      %add3A_181 = arith.addi %mul3A_0, %add3A_180 : i32
      "tpu.region"() ({
        %run_scoped3A = tpu.sem_alloc : memref<!tpu.dma_semaphore, #tpu.memory_space<semaphore_mem>>
        %dma_start3A_182 = arith.constant 9984 : i32
        %dma_start3A_183 = arith.constant 0 : i32
        %dma_start3A_184 = tpu.memref_slice %arg18[%dma_start3A_182, %dma_start3A_183] : memref<10000x128xf32, #tpu.memory_space<vmem_shared>> -> memref<16x128xf32, #tpu.memory_space<vmem_shared>>
        %dma_start3A_185 = arith.constant 0 : i32
        %dma_start3A_186 = tpu.memref_slice %arg2[%add3A_181, %dma_start3A_185] : memref<20000x128xf32, #tpu.memory_space<hbm>> -> memref<16x128xf32, #tpu.memory_space<hbm>>
        tpu.enqueue_dma source(%dma_start3A_186 : memref<16x128xf32, #tpu.memory_space<hbm>>) target(%dma_start3A_184 : memref<16x128xf32, #tpu.memory_space<vmem_shared>>) target_semaphore(%run_scoped3A : memref<!tpu.dma_semaphore, #tpu.memory_space<semaphore_mem>>)
        %dma_wait3A_187 = arith.constant 9984 : i32
        %dma_wait3A_188 = arith.constant 0 : i32
        %dma_wait3A_189 = tpu.memref_slice %arg18[%dma_wait3A_187, %dma_wait3A_188] : memref<10000x128xf32, #tpu.memory_space<vmem_shared>> -> memref<16x128xf32, #tpu.memory_space<vmem_shared>>
        %dma_wait3A_190 = arith.constant 0 : i32
        %dma_wait3A_191 = tpu.memref_slice %arg2[%add3A_181, %dma_wait3A_190] : memref<20000x128xf32, #tpu.memory_space<hbm>> -> memref<16x128xf32, #tpu.memory_space<hbm>>
        tpu.wait_dma2 semaphore(%run_scoped3A : memref<!tpu.dma_semaphore, #tpu.memory_space<semaphore_mem>>) src(%dma_wait3A_191 : memref<16x128xf32, #tpu.memory_space<hbm>>) dst(%dma_wait3A_189 : memref<16x128xf32, #tpu.memory_space<vmem_shared>>)
        tpu.yield
      }) : () -> ()
    } else {
    }
    %barrier3A = arith.constant 0 : index
    tpu.barrier barrier_id(%barrier3A)
    %mul3A_5 = arith.constant 10000 : i32
    %mul3A_6 = arith.muli %arg1, %mul3A_5 : i32
    "tpu.region"() ({
      %run_scoped3A = tpu.sem_alloc : memref<!tpu.dma_semaphore, #tpu.memory_space<semaphore_mem>>
      %dma_start3A_180 = tpu.memref_slice %arg3[%mul3A_6] : memref<160000xi32, #tpu.memory_space<hbm>> -> memref<112xi32, #tpu.memory_space<hbm>>
      %dma_start3A_181 = tpu.memref_slice %arg3[%mul3A_6] : memref<160000xi32, #tpu.memory_space<hbm>> -> memref<112xi32, #tpu.memory_space<hbm>>
      tpu.enqueue_dma source(%dma_start3A_181 : memref<112xi32, #tpu.memory_space<hbm>>) target(%arg6 : memref<112xi32, #tpu.memory_space<vmem>>) target_semaphore(%run_scoped3A : memref<!tpu.dma_semaphore, #tpu.memory_space<semaphore_mem>>)
      %dma_wait3A_182 = tpu.memref_slice %arg3[%mul3A_6] : memref<160000xi32, #tpu.memory_space<hbm>> -> memref<112xi32, #tpu.memory_space<hbm>>
      %dma_wait3A_183 = tpu.memref_slice %arg3[%mul3A_6] : memref<160000xi32, #tpu.memory_space<hbm>> -> memref<112xi32, #tpu.memory_space<hbm>>
      tpu.wait_dma2 semaphore(%run_scoped3A : memref<!tpu.dma_semaphore, #tpu.memory_space<semaphore_mem>>) src(%dma_wait3A_183 : memref<112xi32, #tpu.memory_space<hbm>>) dst(%arg6 : memref<112xi32, #tpu.memory_space<vmem>>)
      tpu.yield
    }) : () -> ()
    "tpu.region"() ({
      %run_scoped3A = tpu.sem_alloc : memref<!tpu.dma_semaphore, #tpu.memory_space<semaphore_mem>>
      %dma_start3A_180 = tpu.memref_slice %arg4[%mul3A_6] : memref<160000xi32, #tpu.memory_space<hbm>> -> memref<112xi32, #tpu.memory_space<hbm>>
      %dma_start3A_181 = tpu.memref_slice %arg4[%mul3A_6] : memref<160000xi32, #tpu.memory_space<hbm>> -> memref<112xi32, #tpu.memory_space<hbm>>
      tpu.enqueue_dma source(%dma_start3A_181 : memref<112xi32, #tpu.memory_space<hbm>>) target(%arg7 : memref<112xi32, #tpu.memory_space<vmem>>) target_semaphore(%run_scoped3A : memref<!tpu.dma_semaphore, #tpu.memory_space<semaphore_mem>>)
      %dma_wait3A_182 = tpu.memref_slice %arg4[%mul3A_6] : memref<160000xi32, #tpu.memory_space<hbm>> -> memref<112xi32, #tpu.memory_space<hbm>>
      %dma_wait3A_183 = tpu.memref_slice %arg4[%mul3A_6] : memref<160000xi32, #tpu.memory_space<hbm>> -> memref<112xi32, #tpu.memory_space<hbm>>
      tpu.wait_dma2 semaphore(%run_scoped3A : memref<!tpu.dma_semaphore, #tpu.memory_space<semaphore_mem>>) src(%dma_wait3A_183 : memref<112xi32, #tpu.memory_space<hbm>>) dst(%arg7 : memref<112xi32, #tpu.memory_space<vmem>>)
      tpu.yield
    }) : () -> ()
    %get3A = arith.constant 0 : index
    %get3A_7 = tpu.vector_load %arg6[%get3A] {strides = array<i32>} : memref<112xi32, #tpu.memory_space<vmem>>, vector<16xi32>,
    %get3A_8 = vector.shape_cast %get3A_7 : vector<16xi32> to vector<16xi32>
    %add3A_9 = vector.broadcast %mul3A_0 : i32 to vector<16xi32>
    %add3A_10 = arith.addi %get3A_8, %add3A_9 : vector<16xi32>
    %swap3A = arith.constant 0 : index
    %swap3A_11 = tpu.vector_load %arg6[%swap3A] {strides = array<i32>} : memref<112xi32, #tpu.memory_space<vmem>>, vector<16xi32>,
    %swap3A_12 = vector.shape_cast %swap3A_11 : vector<16xi32> to vector<16xi32>
    %swap3A_13 = vector.shape_cast %add3A_10 : vector<16xi32> to vector<16xi32>
    tpu.vector_store %arg6[%swap3A], %swap3A_13 {strides = array<i32>} : memref<112xi32, #tpu.memory_space<vmem>>, vector<16xi32>,
    %get3A_14 = arith.constant 16 : index
    %get3A_15 = tpu.vector_load %arg6[%get3A_14] {strides = array<i32>} : memref<112xi32, #tpu.memory_space<vmem>>, vector<16xi32>,
    %get3A_16 = vector.shape_cast %get3A_15 : vector<16xi32> to vector<16xi32>
    %add3A_17 = vector.broadcast %mul3A_0 : i32 to vector<16xi32>
    %add3A_18 = arith.addi %get3A_16, %add3A_17 : vector<16xi32>
    %swap3A_19 = arith.constant 16 : index
    %swap3A_20 = tpu.vector_load %arg6[%swap3A_19] {strides = array<i32>} : memref<112xi32, #tpu.memory_space<vmem>>, vector<16xi32>,
    %swap3A_21 = vector.shape_cast %swap3A_20 : vector<16xi32> to vector<16xi32>
    %swap3A_22 = vector.shape_cast %add3A_18 : vector<16xi32> to vector<16xi32>
    tpu.vector_store %arg6[%swap3A_19], %swap3A_22 {strides = array<i32>} : memref<112xi32, #tpu.memory_space<vmem>>, vector<16xi32>,
    %get3A_23 = arith.constant 32 : index
    %get3A_24 = tpu.vector_load %arg6[%get3A_23] {strides = array<i32>} : memref<112xi32, #tpu.memory_space<vmem>>, vector<16xi32>,
    %get3A_25 = vector.shape_cast %get3A_24 : vector<16xi32> to vector<16xi32>
    %add3A_26 = vector.broadcast %mul3A_0 : i32 to vector<16xi32>
    %add3A_27 = arith.addi %get3A_25, %add3A_26 : vector<16xi32>
    %swap3A_28 = arith.constant 32 : index
    %swap3A_29 = tpu.vector_load %arg6[%swap3A_28] {strides = array<i32>} : memref<112xi32, #tpu.memory_space<vmem>>, vector<16xi32>,
    %swap3A_30 = vector.shape_cast %swap3A_29 : vector<16xi32> to vector<16xi32>
    %swap3A_31 = vector.shape_cast %add3A_27 : vector<16xi32> to vector<16xi32>
    tpu.vector_store %arg6[%swap3A_28], %swap3A_31 {strides = array<i32>} : memref<112xi32, #tpu.memory_space<vmem>>, vector<16xi32>,
    %get3A_32 = arith.constant 48 : index
    %get3A_33 = tpu.vector_load %arg6[%get3A_32] {strides = array<i32>} : memref<112xi32, #tpu.memory_space<vmem>>, vector<16xi32>,
    %get3A_34 = vector.shape_cast %get3A_33 : vector<16xi32> to vector<16xi32>
    %add3A_35 = vector.broadcast %mul3A_0 : i32 to vector<16xi32>
    %add3A_36 = arith.addi %get3A_34, %add3A_35 : vector<16xi32>
    %swap3A_37 = arith.constant 48 : index
    %swap3A_38 = tpu.vector_load %arg6[%swap3A_37] {strides = array<i32>} : memref<112xi32, #tpu.memory_space<vmem>>, vector<16xi32>,
    %swap3A_39 = vector.shape_cast %swap3A_38 : vector<16xi32> to vector<16xi32>
    %swap3A_40 = vector.shape_cast %add3A_36 : vector<16xi32> to vector<16xi32>
    tpu.vector_store %arg6[%swap3A_37], %swap3A_40 {strides = array<i32>} : memref<112xi32, #tpu.memory_space<vmem>>, vector<16xi32>,
    %get3A_41 = arith.constant 64 : index
    %get3A_42 = tpu.vector_load %arg6[%get3A_41] {strides = array<i32>} : memref<112xi32, #tpu.memory_space<vmem>>, vector<16xi32>,
    %get3A_43 = vector.shape_cast %get3A_42 : vector<16xi32> to vector<16xi32>
    %add3A_44 = vector.broadcast %mul3A_0 : i32 to vector<16xi32>
    %add3A_45 = arith.addi %get3A_43, %add3A_44 : vector<16xi32>
    %swap3A_46 = arith.constant 64 : index
    %swap3A_47 = tpu.vector_load %arg6[%swap3A_46] {strides = array<i32>} : memref<112xi32, #tpu.memory_space<vmem>>, vector<16xi32>,
    %swap3A_48 = vector.shape_cast %swap3A_47 : vector<16xi32> to vector<16xi32>
    %swap3A_49 = vector.shape_cast %add3A_45 : vector<16xi32> to vector<16xi32>
    tpu.vector_store %arg6[%swap3A_46], %swap3A_49 {strides = array<i32>} : memref<112xi32, #tpu.memory_space<vmem>>, vector<16xi32>,
    %get3A_50 = arith.constant 80 : index
    %get3A_51 = tpu.vector_load %arg6[%get3A_50] {strides = array<i32>} : memref<112xi32, #tpu.memory_space<vmem>>, vector<16xi32>,
    %get3A_52 = vector.shape_cast %get3A_51 : vector<16xi32> to vector<16xi32>
    %add3A_53 = vector.broadcast %mul3A_0 : i32 to vector<16xi32>
    %add3A_54 = arith.addi %get3A_52, %add3A_53 : vector<16xi32>
    %swap3A_55 = arith.constant 80 : index
    %swap3A_56 = tpu.vector_load %arg6[%swap3A_55] {strides = array<i32>} : memref<112xi32, #tpu.memory_space<vmem>>, vector<16xi32>,
    %swap3A_57 = vector.shape_cast %swap3A_56 : vector<16xi32> to vector<16xi32>
    %swap3A_58 = vector.shape_cast %add3A_54 : vector<16xi32> to vector<16xi32>
    tpu.vector_store %arg6[%swap3A_55], %swap3A_58 {strides = array<i32>} : memref<112xi32, #tpu.memory_space<vmem>>, vector<16xi32>,
    %get3A_59 = arith.constant 96 : index
    %get3A_60 = tpu.vector_load %arg6[%get3A_59] {strides = array<i32>} : memref<112xi32, #tpu.memory_space<vmem>>, vector<16xi32>,
    %get3A_61 = vector.shape_cast %get3A_60 : vector<16xi32> to vector<16xi32>
    %add3A_62 = vector.broadcast %mul3A_0 : i32 to vector<16xi32>
    %add3A_63 = arith.addi %get3A_61, %add3A_62 : vector<16xi32>
    %swap3A_64 = arith.constant 96 : index
    %swap3A_65 = tpu.vector_load %arg6[%swap3A_64] {strides = array<i32>} : memref<112xi32, #tpu.memory_space<vmem>>, vector<16xi32>,
    %swap3A_66 = vector.shape_cast %swap3A_65 : vector<16xi32> to vector<16xi32>
    %swap3A_67 = vector.shape_cast %add3A_63 : vector<16xi32> to vector<16xi32>
    tpu.vector_store %arg6[%swap3A_64], %swap3A_67 {strides = array<i32>} : memref<112xi32, #tpu.memory_space<vmem>>, vector<16xi32>,
    %dma_start3A = arith.constant 0 : i32
    %dma_start3A_68 = arith.constant 0 : i32
    %dma_start3A_69 = tpu.memref_slice %arg2[%dma_start3A, %dma_start3A_68] : memref<20000x128xf32, #tpu.memory_space<hbm>> -> memref<20000x128xf32, #tpu.memory_space<hbm>>
    tpu.enqueue_indirect_dma source(%dma_start3A_69 : memref<20000x128xf32, #tpu.memory_space<hbm>>) target(%arg8 : memref<112x128xf32, #tpu.memory_space<vmem>>) offsets(%arg6 : memref<112xi32, #tpu.memory_space<vmem>>) semaphore(%arg19 : memref<!tpu.dma_semaphore, #tpu.memory_space<semaphore_mem>>)
    %add3A_70 = arith.constant 112 : i32
    %add3A_71 = arith.addi %mul3A_6, %add3A_70 : i32
    "tpu.region"() ({
      %run_scoped3A = tpu.sem_alloc : memref<!tpu.dma_semaphore, #tpu.memory_space<semaphore_mem>>
      %dma_start3A_180 = tpu.memref_slice %arg3[%add3A_71] : memref<160000xi32, #tpu.memory_space<hbm>> -> memref<112xi32, #tpu.memory_space<hbm>>
      %dma_start3A_181 = tpu.memref_slice %arg3[%add3A_71] : memref<160000xi32, #tpu.memory_space<hbm>> -> memref<112xi32, #tpu.memory_space<hbm>>
      tpu.enqueue_dma source(%dma_start3A_181 : memref<112xi32, #tpu.memory_space<hbm>>) target(%arg9 : memref<112xi32, #tpu.memory_space<vmem>>) target_semaphore(%run_scoped3A : memref<!tpu.dma_semaphore, #tpu.memory_space<semaphore_mem>>)
      %dma_wait3A_182 = tpu.memref_slice %arg3[%add3A_71] : memref<160000xi32, #tpu.memory_space<hbm>> -> memref<112xi32, #tpu.memory_space<hbm>>
      %dma_wait3A_183 = tpu.memref_slice %arg3[%add3A_71] : memref<160000xi32, #tpu.memory_space<hbm>> -> memref<112xi32, #tpu.memory_space<hbm>>
      tpu.wait_dma2 semaphore(%run_scoped3A : memref<!tpu.dma_semaphore, #tpu.memory_space<semaphore_mem>>) src(%dma_wait3A_183 : memref<112xi32, #tpu.memory_space<hbm>>) dst(%arg9 : memref<112xi32, #tpu.memory_space<vmem>>)
      tpu.yield
    }) : () -> ()
    "tpu.region"() ({
      %run_scoped3A = tpu.sem_alloc : memref<!tpu.dma_semaphore, #tpu.memory_space<semaphore_mem>>
      %dma_start3A_180 = tpu.memref_slice %arg4[%add3A_71] : memref<160000xi32, #tpu.memory_space<hbm>> -> memref<112xi32, #tpu.memory_space<hbm>>
      %dma_start3A_181 = tpu.memref_slice %arg4[%add3A_71] : memref<160000xi32, #tpu.memory_space<hbm>> -> memref<112xi32, #tpu.memory_space<hbm>>
      tpu.enqueue_dma source(%dma_start3A_181 : memref<112xi32, #tpu.memory_space<hbm>>) target(%arg10 : memref<112xi32, #tpu.memory_space<vmem>>) target_semaphore(%run_scoped3A : memref<!tpu.dma_semaphore, #tpu.memory_space<semaphore_mem>>)
      %dma_wait3A_182 = tpu.memref_slice %arg4[%add3A_71] : memref<160000xi32, #tpu.memory_space<hbm>> -> memref<112xi32, #tpu.memory_space<hbm>>
      %dma_wait3A_183 = tpu.memref_slice %arg4[%add3A_71] : memref<160000xi32, #tpu.memory_space<hbm>> -> memref<112xi32, #tpu.memory_space<hbm>>
      tpu.wait_dma2 semaphore(%run_scoped3A : memref<!tpu.dma_semaphore, #tpu.memory_space<semaphore_mem>>) src(%dma_wait3A_183 : memref<112xi32, #tpu.memory_space<hbm>>) dst(%arg10 : memref<112xi32, #tpu.memory_space<vmem>>)
      tpu.yield
    }) : () -> ()
    %get3A_72 = arith.constant 0 : index
    %get3A_73 = tpu.vector_load %arg9[%get3A_72] {strides = array<i32>} : memref<112xi32, #tpu.memory_space<vmem>>, vector<16xi32>,
    %get3A_74 = vector.shape_cast %get3A_73 : vector<16xi32> to vector<16xi32>
    %add3A_75 = vector.broadcast %mul3A_0 : i32 to vector<16xi32>
    %add3A_76 = arith.addi %get3A_74, %add3A_75 : vector<16xi32>
    %swap3A_77 = arith.constant 0 : index
    %swap3A_78 = tpu.vector_load %arg9[%swap3A_77] {strides = array<i32>} : memref<112xi32, #tpu.memory_space<vmem>>, vector<16xi32>,
    %swap3A_79 = vector.shape_cast %swap3A_78 : vector<16xi32> to vector<16xi32>
    %swap3A_80 = vector.shape_cast %add3A_76 : vector<16xi32> to vector<16xi32>
    tpu.vector_store %arg9[%swap3A_77], %swap3A_80 {strides = array<i32>} : memref<112xi32, #tpu.memory_space<vmem>>, vector<16xi32>,
    %get3A_81 = arith.constant 16 : index
    %get3A_82 = tpu.vector_load %arg9[%get3A_81] {strides = array<i32>} : memref<112xi32, #tpu.memory_space<vmem>>, vector<16xi32>,
    %get3A_83 = vector.shape_cast %get3A_82 : vector<16xi32> to vector<16xi32>
    %add3A_84 = vector.broadcast %mul3A_0 : i32 to vector<16xi32>
    %add3A_85 = arith.addi %get3A_83, %add3A_84 : vector<16xi32>
    %swap3A_86 = arith.constant 16 : index
    %swap3A_87 = tpu.vector_load %arg9[%swap3A_86] {strides = array<i32>} : memref<112xi32, #tpu.memory_space<vmem>>, vector<16xi32>,
    %swap3A_88 = vector.shape_cast %swap3A_87 : vector<16xi32> to vector<16xi32>
    %swap3A_89 = vector.shape_cast %add3A_85 : vector<16xi32> to vector<16xi32>
    tpu.vector_store %arg9[%swap3A_86], %swap3A_89 {strides = array<i32>} : memref<112xi32, #tpu.memory_space<vmem>>, vector<16xi32>,
    %get3A_90 = arith.constant 32 : index
    %get3A_91 = tpu.vector_load %arg9[%get3A_90] {strides = array<i32>} : memref<112xi32, #tpu.memory_space<vmem>>, vector<16xi32>,
    %get3A_92 = vector.shape_cast %get3A_91 : vector<16xi32> to vector<16xi32>
    %add3A_93 = vector.broadcast %mul3A_0 : i32 to vector<16xi32>
    %add3A_94 = arith.addi %get3A_92, %add3A_93 : vector<16xi32>
    %swap3A_95 = arith.constant 32 : index
    %swap3A_96 = tpu.vector_load %arg9[%swap3A_95] {strides = array<i32>} : memref<112xi32, #tpu.memory_space<vmem>>, vector<16xi32>,
    %swap3A_97 = vector.shape_cast %swap3A_96 : vector<16xi32> to vector<16xi32>
    %swap3A_98 = vector.shape_cast %add3A_94 : vector<16xi32> to vector<16xi32>
    tpu.vector_store %arg9[%swap3A_95], %swap3A_98 {strides = array<i32>} : memref<112xi32, #tpu.memory_space<vmem>>, vector<16xi32>,
    %get3A_99 = arith.constant 48 : index
    %get3A_100 = tpu.vector_load %arg9[%get3A_99] {strides = array<i32>} : memref<112xi32, #tpu.memory_space<vmem>>, vector<16xi32>,
    %get3A_101 = vector.shape_cast %get3A_100 : vector<16xi32> to vector<16xi32>
    %add3A_102 = vector.broadcast %mul3A_0 : i32 to vector<16xi32>
    %add3A_103 = arith.addi %get3A_101, %add3A_102 : vector<16xi32>
    %swap3A_104 = arith.constant 48 : index
    %swap3A_105 = tpu.vector_load %arg9[%swap3A_104] {strides = array<i32>} : memref<112xi32, #tpu.memory_space<vmem>>, vector<16xi32>,
    %swap3A_106 = vector.shape_cast %swap3A_105 : vector<16xi32> to vector<16xi32>
    %swap3A_107 = vector.shape_cast %add3A_103 : vector<16xi32> to vector<16xi32>
    tpu.vector_store %arg9[%swap3A_104], %swap3A_107 {strides = array<i32>} : memref<112xi32, #tpu.memory_space<vmem>>, vector<16xi32>,
    %get3A_108 = arith.constant 64 : index
    %get3A_109 = tpu.vector_load %arg9[%get3A_108] {strides = array<i32>} : memref<112xi32, #tpu.memory_space<vmem>>, vector<16xi32>,
    %get3A_110 = vector.shape_cast %get3A_109 : vector<16xi32> to vector<16xi32>
    %add3A_111 = vector.broadcast %mul3A_0 : i32 to vector<16xi32>
    %add3A_112 = arith.addi %get3A_110, %add3A_111 : vector<16xi32>
    %swap3A_113 = arith.constant 64 : index
    %swap3A_114 = tpu.vector_load %arg9[%swap3A_113] {strides = array<i32>} : memref<112xi32, #tpu.memory_space<vmem>>, vector<16xi32>,
    %swap3A_115 = vector.shape_cast %swap3A_114 : vector<16xi32> to vector<16xi32>
    %swap3A_116 = vector.shape_cast %add3A_112 : vector<16xi32> to vector<16xi32>
    tpu.vector_store %arg9[%swap3A_113], %swap3A_116 {strides = array<i32>} : memref<112xi32, #tpu.memory_space<vmem>>, vector<16xi32>,
    %get3A_117 = arith.constant 80 : index
    %get3A_118 = tpu.vector_load %arg9[%get3A_117] {strides = array<i32>} : memref<112xi32, #tpu.memory_space<vmem>>, vector<16xi32>,
    %get3A_119 = vector.shape_cast %get3A_118 : vector<16xi32> to vector<16xi32>
    %add3A_120 = vector.broadcast %mul3A_0 : i32 to vector<16xi32>
    %add3A_121 = arith.addi %get3A_119, %add3A_120 : vector<16xi32>
    %swap3A_122 = arith.constant 80 : index
    %swap3A_123 = tpu.vector_load %arg9[%swap3A_122] {strides = array<i32>} : memref<112xi32, #tpu.memory_space<vmem>>, vector<16xi32>,
    %swap3A_124 = vector.shape_cast %swap3A_123 : vector<16xi32> to vector<16xi32>
    %swap3A_125 = vector.shape_cast %add3A_121 : vector<16xi32> to vector<16xi32>
    tpu.vector_store %arg9[%swap3A_122], %swap3A_125 {strides = array<i32>} : memref<112xi32, #tpu.memory_space<vmem>>, vector<16xi32>,
    %get3A_126 = arith.constant 96 : index
    %get3A_127 = tpu.vector_load %arg9[%get3A_126] {strides = array<i32>} : memref<112xi32, #tpu.memory_space<vmem>>, vector<16xi32>,
    %get3A_128 = vector.shape_cast %get3A_127 : vector<16xi32> to vector<16xi32>
    %add3A_129 = vector.broadcast %mul3A_0 : i32 to vector<16xi32>
    %add3A_130 = arith.addi %get3A_128, %add3A_129 : vector<16xi32>
    %swap3A_131 = arith.constant 96 : index
    %swap3A_132 = tpu.vector_load %arg9[%swap3A_131] {strides = array<i32>} : memref<112xi32, #tpu.memory_space<vmem>>, vector<16xi32>,
    %swap3A_133 = vector.shape_cast %swap3A_132 : vector<16xi32> to vector<16xi32>
    %swap3A_134 = vector.shape_cast %add3A_130 : vector<16xi32> to vector<16xi32>
    tpu.vector_store %arg9[%swap3A_131], %swap3A_134 {strides = array<i32>} : memref<112xi32, #tpu.memory_space<vmem>>, vector<16xi32>,
    %dma_start3A_135 = arith.constant 0 : i32
    %dma_start3A_136 = arith.constant 0 : i32
    %dma_start3A_137 = tpu.memref_slice %arg2[%dma_start3A_135, %dma_start3A_136] : memref<20000x128xf32, #tpu.memory_space<hbm>> -> memref<20000x128xf32, #tpu.memory_space<hbm>>
    tpu.enqueue_indirect_dma source(%dma_start3A_137 : memref<20000x128xf32, #tpu.memory_space<hbm>>) target(%arg11 : memref<112x128xf32, #tpu.memory_space<vmem>>) offsets(%arg9 : memref<112xi32, #tpu.memory_space<vmem>>) semaphore(%arg20 : memref<!tpu.dma_semaphore, #tpu.memory_space<semaphore_mem>>)
    %scan3A = arith.constant 0 : i32
    %scan3A_138 = arith.constant 29 : i32
    %scan3A_139 = arith.addi %scan3A, %scan3A_138 : i32
    %scan3A_140 = arith.constant 1 : i32
    scf.for %scan3A_180 = %scan3A to %scan3A_139 step %scan3A_140  : i32 {
      %mul3A_181 = arith.constant 1 : i32
      %mul3A_182 = arith.muli %scan3A_180, %mul3A_181 : i32
      %add3A_183 = arith.constant 0 : i32
      %add3A_184 = arith.addi %add3A_183, %mul3A_182 : i32
      %mul3A_185 = arith.constant 336 : i32
      %mul3A_186 = arith.muli %add3A_184, %mul3A_185 : i32
      %add3A_187 = arith.addi %mul3A_6, %mul3A_186 : i32
      %dma_wait3A_188 = arith.constant 0 : i32
      %dma_wait3A_189 = arith.constant 0 : i32
      %dma_wait3A_190 = tpu.memref_slice %arg2[%dma_wait3A_188, %dma_wait3A_189] : memref<20000x128xf32, #tpu.memory_space<hbm>> -> memref<20000x128xf32, #tpu.memory_space<hbm>>
      tpu.wait_indirect_dma semaphore(%arg19 : memref<!tpu.dma_semaphore, #tpu.memory_space<semaphore_mem>>) src(%dma_wait3A_190 : memref<20000x128xf32, #tpu.memory_space<hbm>>) dst(%arg8 : memref<112x128xf32, #tpu.memory_space<vmem>>)
      %add3A_191 = arith.constant 224 : i32
      %add3A_192 = arith.addi %add3A_187, %add3A_191 : i32
      "tpu.region"() ({
        %run_scoped3A = tpu.sem_alloc : memref<!tpu.dma_semaphore, #tpu.memory_space<semaphore_mem>>
        %dma_start3A_401 = tpu.memref_slice %arg3[%add3A_192] : memref<160000xi32, #tpu.memory_space<hbm>> -> memref<112xi32, #tpu.memory_space<hbm>>
        %dma_start3A_402 = tpu.memref_slice %arg3[%add3A_192] : memref<160000xi32, #tpu.memory_space<hbm>> -> memref<112xi32, #tpu.memory_space<hbm>>
        tpu.enqueue_dma source(%dma_start3A_402 : memref<112xi32, #tpu.memory_space<hbm>>) target(%arg12 : memref<112xi32, #tpu.memory_space<vmem>>) target_semaphore(%run_scoped3A : memref<!tpu.dma_semaphore, #tpu.memory_space<semaphore_mem>>)
        %dma_wait3A_403 = tpu.memref_slice %arg3[%add3A_192] : memref<160000xi32, #tpu.memory_space<hbm>> -> memref<112xi32, #tpu.memory_space<hbm>>
        %dma_wait3A_404 = tpu.memref_slice %arg3[%add3A_192] : memref<160000xi32, #tpu.memory_space<hbm>> -> memref<112xi32, #tpu.memory_space<hbm>>
        tpu.wait_dma2 semaphore(%run_scoped3A : memref<!tpu.dma_semaphore, #tpu.memory_space<semaphore_mem>>) src(%dma_wait3A_404 : memref<112xi32, #tpu.memory_space<hbm>>) dst(%arg12 : memref<112xi32, #tpu.memory_space<vmem>>)
        tpu.yield
      }) : () -> ()
      "tpu.region"() ({
        %run_scoped3A = tpu.sem_alloc : memref<!tpu.dma_semaphore, #tpu.memory_space<semaphore_mem>>
        %dma_start3A_401 = tpu.memref_slice %arg4[%add3A_192] : memref<160000xi32, #tpu.memory_space<hbm>> -> memref<112xi32, #tpu.memory_space<hbm>>
        %dma_start3A_402 = tpu.memref_slice %arg4[%add3A_192] : memref<160000xi32, #tpu.memory_space<hbm>> -> memref<112xi32, #tpu.memory_space<hbm>>
        tpu.enqueue_dma source(%dma_start3A_402 : memref<112xi32, #tpu.memory_space<hbm>>) target(%arg13 : memref<112xi32, #tpu.memory_space<vmem>>) target_semaphore(%run_scoped3A : memref<!tpu.dma_semaphore, #tpu.memory_space<semaphore_mem>>)
        %dma_wait3A_403 = tpu.memref_slice %arg4[%add3A_192] : memref<160000xi32, #tpu.memory_space<hbm>> -> memref<112xi32, #tpu.memory_space<hbm>>
        %dma_wait3A_404 = tpu.memref_slice %arg4[%add3A_192] : memref<160000xi32, #tpu.memory_space<hbm>> -> memref<112xi32, #tpu.memory_space<hbm>>
        tpu.wait_dma2 semaphore(%run_scoped3A : memref<!tpu.dma_semaphore, #tpu.memory_space<semaphore_mem>>) src(%dma_wait3A_404 : memref<112xi32, #tpu.memory_space<hbm>>) dst(%arg13 : memref<112xi32, #tpu.memory_space<vmem>>)
        tpu.yield
      }) : () -> ()
      %get3A_193 = arith.constant 0 : index
      %get3A_194 = tpu.vector_load %arg12[%get3A_193] {strides = array<i32>} : memref<112xi32, #tpu.memory_space<vmem>>, vector<16xi32>,
      %get3A_195 = vector.shape_cast %get3A_194 : vector<16xi32> to vector<16xi32>
      %add3A_196 = vector.broadcast %mul3A_0 : i32 to vector<16xi32>
      %add3A_197 = arith.addi %get3A_195, %add3A_196 : vector<16xi32>
      %swap3A_198 = arith.constant 0 : index
      %swap3A_199 = tpu.vector_load %arg12[%swap3A_198] {strides = array<i32>} : memref<112xi32, #tpu.memory_space<vmem>>, vector<16xi32>,
      %swap3A_200 = vector.shape_cast %swap3A_199 : vector<16xi32> to vector<16xi32>
      %swap3A_201 = vector.shape_cast %add3A_197 : vector<16xi32> to vector<16xi32>
      tpu.vector_store %arg12[%swap3A_198], %swap3A_201 {strides = array<i32>} : memref<112xi32, #tpu.memory_space<vmem>>, vector<16xi32>,
      %get3A_202 = arith.constant 16 : index
      %get3A_203 = tpu.vector_load %arg12[%get3A_202] {strides = array<i32>} : memref<112xi32, #tpu.memory_space<vmem>>, vector<16xi32>,
      %get3A_204 = vector.shape_cast %get3A_203 : vector<16xi32> to vector<16xi32>
      %add3A_205 = vector.broadcast %mul3A_0 : i32 to vector<16xi32>
      %add3A_206 = arith.addi %get3A_204, %add3A_205 : vector<16xi32>
      %swap3A_207 = arith.constant 16 : index
      %swap3A_208 = tpu.vector_load %arg12[%swap3A_207] {strides = array<i32>} : memref<112xi32, #tpu.memory_space<vmem>>, vector<16xi32>,
      %swap3A_209 = vector.shape_cast %swap3A_208 : vector<16xi32> to vector<16xi32>
      %swap3A_210 = vector.shape_cast %add3A_206 : vector<16xi32> to vector<16xi32>
      tpu.vector_store %arg12[%swap3A_207], %swap3A_210 {strides = array<i32>} : memref<112xi32, #tpu.memory_space<vmem>>, vector<16xi32>,
      %get3A_211 = arith.constant 32 : index
      %get3A_212 = tpu.vector_load %arg12[%get3A_211] {strides = array<i32>} : memref<112xi32, #tpu.memory_space<vmem>>, vector<16xi32>,
      %get3A_213 = vector.shape_cast %get3A_212 : vector<16xi32> to vector<16xi32>
      %add3A_214 = vector.broadcast %mul3A_0 : i32 to vector<16xi32>
      %add3A_215 = arith.addi %get3A_213, %add3A_214 : vector<16xi32>
      %swap3A_216 = arith.constant 32 : index
      %swap3A_217 = tpu.vector_load %arg12[%swap3A_216] {strides = array<i32>} : memref<112xi32, #tpu.memory_space<vmem>>, vector<16xi32>,
      %swap3A_218 = vector.shape_cast %swap3A_217 : vector<16xi32> to vector<16xi32>
      %swap3A_219 = vector.shape_cast %add3A_215 : vector<16xi32> to vector<16xi32>
      tpu.vector_store %arg12[%swap3A_216], %swap3A_219 {strides = array<i32>} : memref<112xi32, #tpu.memory_space<vmem>>, vector<16xi32>,
      %get3A_220 = arith.constant 48 : index
      %get3A_221 = tpu.vector_load %arg12[%get3A_220] {strides = array<i32>} : memref<112xi32, #tpu.memory_space<vmem>>, vector<16xi32>,
      %get3A_222 = vector.shape_cast %get3A_221 : vector<16xi32> to vector<16xi32>
      %add3A_223 = vector.broadcast %mul3A_0 : i32 to vector<16xi32>
      %add3A_224 = arith.addi %get3A_222, %add3A_223 : vector<16xi32>
      %swap3A_225 = arith.constant 48 : index
      %swap3A_226 = tpu.vector_load %arg12[%swap3A_225] {strides = array<i32>} : memref<112xi32, #tpu.memory_space<vmem>>, vector<16xi32>,
      %swap3A_227 = vector.shape_cast %swap3A_226 : vector<16xi32> to vector<16xi32>
      %swap3A_228 = vector.shape_cast %add3A_224 : vector<16xi32> to vector<16xi32>
      tpu.vector_store %arg12[%swap3A_225], %swap3A_228 {strides = array<i32>} : memref<112xi32, #tpu.memory_space<vmem>>, vector<16xi32>,
      %get3A_229 = arith.constant 64 : index
      %get3A_230 = tpu.vector_load %arg12[%get3A_229] {strides = array<i32>} : memref<112xi32, #tpu.memory_space<vmem>>, vector<16xi32>,
      %get3A_231 = vector.shape_cast %get3A_230 : vector<16xi32> to vector<16xi32>
      %add3A_232 = vector.broadcast %mul3A_0 : i32 to vector<16xi32>
      %add3A_233 = arith.addi %get3A_231, %add3A_232 : vector<16xi32>
      %swap3A_234 = arith.constant 64 : index
      %swap3A_235 = tpu.vector_load %arg12[%swap3A_234] {strides = array<i32>} : memref<112xi32, #tpu.memory_space<vmem>>, vector<16xi32>,
      %swap3A_236 = vector.shape_cast %swap3A_235 : vector<16xi32> to vector<16xi32>
      %swap3A_237 = vector.shape_cast %add3A_233 : vector<16xi32> to vector<16xi32>
      tpu.vector_store %arg12[%swap3A_234], %swap3A_237 {strides = array<i32>} : memref<112xi32, #tpu.memory_space<vmem>>, vector<16xi32>,
      %get3A_238 = arith.constant 80 : index
      %get3A_239 = tpu.vector_load %arg12[%get3A_238] {strides = array<i32>} : memref<112xi32, #tpu.memory_space<vmem>>, vector<16xi32>,
      %get3A_240 = vector.shape_cast %get3A_239 : vector<16xi32> to vector<16xi32>
      %add3A_241 = vector.broadcast %mul3A_0 : i32 to vector<16xi32>
      %add3A_242 = arith.addi %get3A_240, %add3A_241 : vector<16xi32>
      %swap3A_243 = arith.constant 80 : index
      %swap3A_244 = tpu.vector_load %arg12[%swap3A_243] {strides = array<i32>} : memref<112xi32, #tpu.memory_space<vmem>>, vector<16xi32>,
      %swap3A_245 = vector.shape_cast %swap3A_244 : vector<16xi32> to vector<16xi32>
      %swap3A_246 = vector.shape_cast %add3A_242 : vector<16xi32> to vector<16xi32>
      tpu.vector_store %arg12[%swap3A_243], %swap3A_246 {strides = array<i32>} : memref<112xi32, #tpu.memory_space<vmem>>, vector<16xi32>,
      %get3A_247 = arith.constant 96 : index
      %get3A_248 = tpu.vector_load %arg12[%get3A_247] {strides = array<i32>} : memref<112xi32, #tpu.memory_space<vmem>>, vector<16xi32>,
      %get3A_249 = vector.shape_cast %get3A_248 : vector<16xi32> to vector<16xi32>
      %add3A_250 = vector.broadcast %mul3A_0 : i32 to vector<16xi32>
      %add3A_251 = arith.addi %get3A_249, %add3A_250 : vector<16xi32>
      %swap3A_252 = arith.constant 96 : index
      %swap3A_253 = tpu.vector_load %arg12[%swap3A_252] {strides = array<i32>} : memref<112xi32, #tpu.memory_space<vmem>>, vector<16xi32>,
      %swap3A_254 = vector.shape_cast %swap3A_253 : vector<16xi32> to vector<16xi32>
      %swap3A_255 = vector.shape_cast %add3A_251 : vector<16xi32> to vector<16xi32>
      tpu.vector_store %arg12[%swap3A_252], %swap3A_255 {strides = array<i32>} : memref<112xi32, #tpu.memory_space<vmem>>, vector<16xi32>,
      %dma_start3A_256 = arith.constant 0 : i32
      %dma_start3A_257 = arith.constant 0 : i32
      %dma_start3A_258 = tpu.memref_slice %arg2[%dma_start3A_256, %dma_start3A_257] : memref<20000x128xf32, #tpu.memory_space<hbm>> -> memref<20000x128xf32, #tpu.memory_space<hbm>>
      tpu.enqueue_indirect_dma source(%dma_start3A_258 : memref<20000x128xf32, #tpu.memory_space<hbm>>) target(%arg14 : memref<112x128xf32, #tpu.memory_space<vmem>>) offsets(%arg12 : memref<112xi32, #tpu.memory_space<vmem>>) semaphore(%arg21 : memref<!tpu.dma_semaphore, #tpu.memory_space<semaphore_mem>>)
      "tpu.region"() ({
        %run_scoped3A = tpu.sem_alloc : memref<!tpu.dma_semaphore, #tpu.memory_space<semaphore_mem>>
        %dma_start3A_401 = arith.constant 0 : i32
        %dma_start3A_402 = arith.constant 0 : i32
        %dma_start3A_403 = tpu.memref_slice %arg18[%dma_start3A_401, %dma_start3A_402] : memref<10000x128xf32, #tpu.memory_space<vmem_shared>> -> memref<10000x128xf32, #tpu.memory_space<vmem_shared>>
        tpu.enqueue_indirect_dma source(%arg8 : memref<112x128xf32, #tpu.memory_space<vmem>>) target(%dma_start3A_403 : memref<10000x128xf32, #tpu.memory_space<vmem_shared>>) offsets(%arg7 : memref<112xi32, #tpu.memory_space<vmem>>) semaphore(%run_scoped3A : memref<!tpu.dma_semaphore, #tpu.memory_space<semaphore_mem>>) {add = true}
        %dma_wait3A_404 = arith.constant 0 : i32
        %dma_wait3A_405 = arith.constant 0 : i32
        %dma_wait3A_406 = tpu.memref_slice %arg18[%dma_wait3A_404, %dma_wait3A_405] : memref<10000x128xf32, #tpu.memory_space<vmem_shared>> -> memref<10000x128xf32, #tpu.memory_space<vmem_shared>>
        tpu.wait_indirect_dma semaphore(%run_scoped3A : memref<!tpu.dma_semaphore, #tpu.memory_space<semaphore_mem>>) src(%arg8 : memref<112x128xf32, #tpu.memory_space<vmem>>) dst(%dma_wait3A_406 : memref<10000x128xf32, #tpu.memory_space<vmem_shared>>)
        tpu.yield
      }) : () -> ()
      %dma_wait3A_259 = arith.constant 0 : i32
      %dma_wait3A_260 = arith.constant 0 : i32
      %dma_wait3A_261 = tpu.memref_slice %arg2[%dma_wait3A_259, %dma_wait3A_260] : memref<20000x128xf32, #tpu.memory_space<hbm>> -> memref<20000x128xf32, #tpu.memory_space<hbm>>
      tpu.wait_indirect_dma semaphore(%arg20 : memref<!tpu.dma_semaphore, #tpu.memory_space<semaphore_mem>>) src(%dma_wait3A_261 : memref<20000x128xf32, #tpu.memory_space<hbm>>) dst(%arg11 : memref<112x128xf32, #tpu.memory_space<vmem>>)
      %add3A_262 = arith.constant 336 : i32
      %add3A_263 = arith.addi %add3A_187, %add3A_262 : i32
      "tpu.region"() ({
        %run_scoped3A = tpu.sem_alloc : memref<!tpu.dma_semaphore, #tpu.memory_space<semaphore_mem>>
        %dma_start3A_401 = tpu.memref_slice %arg3[%add3A_263] : memref<160000xi32, #tpu.memory_space<hbm>> -> memref<112xi32, #tpu.memory_space<hbm>>
        %dma_start3A_402 = tpu.memref_slice %arg3[%add3A_263] : memref<160000xi32, #tpu.memory_space<hbm>> -> memref<112xi32, #tpu.memory_space<hbm>>
        tpu.enqueue_dma source(%dma_start3A_402 : memref<112xi32, #tpu.memory_space<hbm>>) target(%arg6 : memref<112xi32, #tpu.memory_space<vmem>>) target_semaphore(%run_scoped3A : memref<!tpu.dma_semaphore, #tpu.memory_space<semaphore_mem>>)
        %dma_wait3A_403 = tpu.memref_slice %arg3[%add3A_263] : memref<160000xi32, #tpu.memory_space<hbm>> -> memref<112xi32, #tpu.memory_space<hbm>>
        %dma_wait3A_404 = tpu.memref_slice %arg3[%add3A_263] : memref<160000xi32, #tpu.memory_space<hbm>> -> memref<112xi32, #tpu.memory_space<hbm>>
        tpu.wait_dma2 semaphore(%run_scoped3A : memref<!tpu.dma_semaphore, #tpu.memory_space<semaphore_mem>>) src(%dma_wait3A_404 : memref<112xi32, #tpu.memory_space<hbm>>) dst(%arg6 : memref<112xi32, #tpu.memory_space<vmem>>)
        tpu.yield
      }) : () -> ()
      "tpu.region"() ({
        %run_scoped3A = tpu.sem_alloc : memref<!tpu.dma_semaphore, #tpu.memory_space<semaphore_mem>>
        %dma_start3A_401 = tpu.memref_slice %arg4[%add3A_263] : memref<160000xi32, #tpu.memory_space<hbm>> -> memref<112xi32, #tpu.memory_space<hbm>>
        %dma_start3A_402 = tpu.memref_slice %arg4[%add3A_263] : memref<160000xi32, #tpu.memory_space<hbm>> -> memref<112xi32, #tpu.memory_space<hbm>>
        tpu.enqueue_dma source(%dma_start3A_402 : memref<112xi32, #tpu.memory_space<hbm>>) target(%arg7 : memref<112xi32, #tpu.memory_space<vmem>>) target_semaphore(%run_scoped3A : memref<!tpu.dma_semaphore, #tpu.memory_space<semaphore_mem>>)
        %dma_wait3A_403 = tpu.memref_slice %arg4[%add3A_263] : memref<160000xi32, #tpu.memory_space<hbm>> -> memref<112xi32, #tpu.memory_space<hbm>>
        %dma_wait3A_404 = tpu.memref_slice %arg4[%add3A_263] : memref<160000xi32, #tpu.memory_space<hbm>> -> memref<112xi32, #tpu.memory_space<hbm>>
        tpu.wait_dma2 semaphore(%run_scoped3A : memref<!tpu.dma_semaphore, #tpu.memory_space<semaphore_mem>>) src(%dma_wait3A_404 : memref<112xi32, #tpu.memory_space<hbm>>) dst(%arg7 : memref<112xi32, #tpu.memory_space<vmem>>)
        tpu.yield
      }) : () -> ()
      %get3A_264 = arith.constant 0 : index
      %get3A_265 = tpu.vector_load %arg6[%get3A_264] {strides = array<i32>} : memref<112xi32, #tpu.memory_space<vmem>>, vector<16xi32>,
      %get3A_266 = vector.shape_cast %get3A_265 : vector<16xi32> to vector<16xi32>
      %add3A_267 = vector.broadcast %mul3A_0 : i32 to vector<16xi32>
      %add3A_268 = arith.addi %get3A_266, %add3A_267 : vector<16xi32>
      %swap3A_269 = arith.constant 0 : index
      %swap3A_270 = tpu.vector_load %arg6[%swap3A_269] {strides = array<i32>} : memref<112xi32, #tpu.memory_space<vmem>>, vector<16xi32>,
      %swap3A_271 = vector.shape_cast %swap3A_270 : vector<16xi32> to vector<16xi32>
      %swap3A_272 = vector.shape_cast %add3A_268 : vector<16xi32> to vector<16xi32>
      tpu.vector_store %arg6[%swap3A_269], %swap3A_272 {strides = array<i32>} : memref<112xi32, #tpu.memory_space<vmem>>, vector<16xi32>,
      %get3A_273 = arith.constant 16 : index
      %get3A_274 = tpu.vector_load %arg6[%get3A_273] {strides = array<i32>} : memref<112xi32, #tpu.memory_space<vmem>>, vector<16xi32>,
      %get3A_275 = vector.shape_cast %get3A_274 : vector<16xi32> to vector<16xi32>
      %add3A_276 = vector.broadcast %mul3A_0 : i32 to vector<16xi32>
      %add3A_277 = arith.addi %get3A_275, %add3A_276 : vector<16xi32>
      %swap3A_278 = arith.constant 16 : index
      %swap3A_279 = tpu.vector_load %arg6[%swap3A_278] {strides = array<i32>} : memref<112xi32, #tpu.memory_space<vmem>>, vector<16xi32>,
      %swap3A_280 = vector.shape_cast %swap3A_279 : vector<16xi32> to vector<16xi32>
      %swap3A_281 = vector.shape_cast %add3A_277 : vector<16xi32> to vector<16xi32>
      tpu.vector_store %arg6[%swap3A_278], %swap3A_281 {strides = array<i32>} : memref<112xi32, #tpu.memory_space<vmem>>, vector<16xi32>,
      %get3A_282 = arith.constant 32 : index
      %get3A_283 = tpu.vector_load %arg6[%get3A_282] {strides = array<i32>} : memref<112xi32, #tpu.memory_space<vmem>>, vector<16xi32>,
      %get3A_284 = vector.shape_cast %get3A_283 : vector<16xi32> to vector<16xi32>
      %add3A_285 = vector.broadcast %mul3A_0 : i32 to vector<16xi32>
      %add3A_286 = arith.addi %get3A_284, %add3A_285 : vector<16xi32>
      %swap3A_287 = arith.constant 32 : index
      %swap3A_288 = tpu.vector_load %arg6[%swap3A_287] {strides = array<i32>} : memref<112xi32, #tpu.memory_space<vmem>>, vector<16xi32>,
      %swap3A_289 = vector.shape_cast %swap3A_288 : vector<16xi32> to vector<16xi32>
      %swap3A_290 = vector.shape_cast %add3A_286 : vector<16xi32> to vector<16xi32>
      tpu.vector_store %arg6[%swap3A_287], %swap3A_290 {strides = array<i32>} : memref<112xi32, #tpu.memory_space<vmem>>, vector<16xi32>,
      %get3A_291 = arith.constant 48 : index
      %get3A_292 = tpu.vector_load %arg6[%get3A_291] {strides = array<i32>} : memref<112xi32, #tpu.memory_space<vmem>>, vector<16xi32>,
      %get3A_293 = vector.shape_cast %get3A_292 : vector<16xi32> to vector<16xi32>
      %add3A_294 = vector.broadcast %mul3A_0 : i32 to vector<16xi32>
      %add3A_295 = arith.addi %get3A_293, %add3A_294 : vector<16xi32>
      %swap3A_296 = arith.constant 48 : index
      %swap3A_297 = tpu.vector_load %arg6[%swap3A_296] {strides = array<i32>} : memref<112xi32, #tpu.memory_space<vmem>>, vector<16xi32>,
      %swap3A_298 = vector.shape_cast %swap3A_297 : vector<16xi32> to vector<16xi32>
      %swap3A_299 = vector.shape_cast %add3A_295 : vector<16xi32> to vector<16xi32>
      tpu.vector_store %arg6[%swap3A_296], %swap3A_299 {strides = array<i32>} : memref<112xi32, #tpu.memory_space<vmem>>, vector<16xi32>,
      %get3A_300 = arith.constant 64 : index
      %get3A_301 = tpu.vector_load %arg6[%get3A_300] {strides = array<i32>} : memref<112xi32, #tpu.memory_space<vmem>>, vector<16xi32>,
      %get3A_302 = vector.shape_cast %get3A_301 : vector<16xi32> to vector<16xi32>
      %add3A_303 = vector.broadcast %mul3A_0 : i32 to vector<16xi32>
      %add3A_304 = arith.addi %get3A_302, %add3A_303 : vector<16xi32>
      %swap3A_305 = arith.constant 64 : index
      %swap3A_306 = tpu.vector_load %arg6[%swap3A_305] {strides = array<i32>} : memref<112xi32, #tpu.memory_space<vmem>>, vector<16xi32>,
      %swap3A_307 = vector.shape_cast %swap3A_306 : vector<16xi32> to vector<16xi32>
      %swap3A_308 = vector.shape_cast %add3A_304 : vector<16xi32> to vector<16xi32>
      tpu.vector_store %arg6[%swap3A_305], %swap3A_308 {strides = array<i32>} : memref<112xi32, #tpu.memory_space<vmem>>, vector<16xi32>,
      %get3A_309 = arith.constant 80 : index
      %get3A_310 = tpu.vector_load %arg6[%get3A_309] {strides = array<i32>} : memref<112xi32, #tpu.memory_space<vmem>>, vector<16xi32>,
      %get3A_311 = vector.shape_cast %get3A_310 : vector<16xi32> to vector<16xi32>
      %add3A_312 = vector.broadcast %mul3A_0 : i32 to vector<16xi32>
      %add3A_313 = arith.addi %get3A_311, %add3A_312 : vector<16xi32>
      %swap3A_314 = arith.constant 80 : index
      %swap3A_315 = tpu.vector_load %arg6[%swap3A_314] {strides = array<i32>} : memref<112xi32, #tpu.memory_space<vmem>>, vector<16xi32>,
      %swap3A_316 = vector.shape_cast %swap3A_315 : vector<16xi32> to vector<16xi32>
      %swap3A_317 = vector.shape_cast %add3A_313 : vector<16xi32> to vector<16xi32>
      tpu.vector_store %arg6[%swap3A_314], %swap3A_317 {strides = array<i32>} : memref<112xi32, #tpu.memory_space<vmem>>, vector<16xi32>,
      %get3A_318 = arith.constant 96 : index
      %get3A_319 = tpu.vector_load %arg6[%get3A_318] {strides = array<i32>} : memref<112xi32, #tpu.memory_space<vmem>>, vector<16xi32>,
      %get3A_320 = vector.shape_cast %get3A_319 : vector<16xi32> to vector<16xi32>
      %add3A_321 = vector.broadcast %mul3A_0 : i32 to vector<16xi32>
      %add3A_322 = arith.addi %get3A_320, %add3A_321 : vector<16xi32>
      %swap3A_323 = arith.constant 96 : index
      %swap3A_324 = tpu.vector_load %arg6[%swap3A_323] {strides = array<i32>} : memref<112xi32, #tpu.memory_space<vmem>>, vector<16xi32>,
      %swap3A_325 = vector.shape_cast %swap3A_324 : vector<16xi32> to vector<16xi32>
      %swap3A_326 = vector.shape_cast %add3A_322 : vector<16xi32> to vector<16xi32>
      tpu.vector_store %arg6[%swap3A_323], %swap3A_326 {strides = array<i32>} : memref<112xi32, #tpu.memory_space<vmem>>, vector<16xi32>,
      %dma_start3A_327 = arith.constant 0 : i32
      %dma_start3A_328 = arith.constant 0 : i32
      %dma_start3A_329 = tpu.memref_slice %arg2[%dma_start3A_327, %dma_start3A_328] : memref<20000x128xf32, #tpu.memory_space<hbm>> -> memref<20000x128xf32, #tpu.memory_space<hbm>>
      tpu.enqueue_indirect_dma source(%dma_start3A_329 : memref<20000x128xf32, #tpu.memory_space<hbm>>) target(%arg8 : memref<112x128xf32, #tpu.memory_space<vmem>>) offsets(%arg6 : memref<112xi32, #tpu.memory_space<vmem>>) semaphore(%arg19 : memref<!tpu.dma_semaphore, #tpu.memory_space<semaphore_mem>>)
      "tpu.region"() ({
        %run_scoped3A = tpu.sem_alloc : memref<!tpu.dma_semaphore, #tpu.memory_space<semaphore_mem>>
        %dma_start3A_401 = arith.constant 0 : i32
        %dma_start3A_402 = arith.constant 0 : i32
        %dma_start3A_403 = tpu.memref_slice %arg18[%dma_start3A_401, %dma_start3A_402] : memref<10000x128xf32, #tpu.memory_space<vmem_shared>> -> memref<10000x128xf32, #tpu.memory_space<vmem_shared>>
        tpu.enqueue_indirect_dma source(%arg11 : memref<112x128xf32, #tpu.memory_space<vmem>>) target(%dma_start3A_403 : memref<10000x128xf32, #tpu.memory_space<vmem_shared>>) offsets(%arg10 : memref<112xi32, #tpu.memory_space<vmem>>) semaphore(%run_scoped3A : memref<!tpu.dma_semaphore, #tpu.memory_space<semaphore_mem>>) {add = true}
        %dma_wait3A_404 = arith.constant 0 : i32
        %dma_wait3A_405 = arith.constant 0 : i32
        %dma_wait3A_406 = tpu.memref_slice %arg18[%dma_wait3A_404, %dma_wait3A_405] : memref<10000x128xf32, #tpu.memory_space<vmem_shared>> -> memref<10000x128xf32, #tpu.memory_space<vmem_shared>>
        tpu.wait_indirect_dma semaphore(%run_scoped3A : memref<!tpu.dma_semaphore, #tpu.memory_space<semaphore_mem>>) src(%arg11 : memref<112x128xf32, #tpu.memory_space<vmem>>) dst(%dma_wait3A_406 : memref<10000x128xf32, #tpu.memory_space<vmem_shared>>)
        tpu.yield
      }) : () -> ()
      %dma_wait3A_330 = arith.constant 0 : i32
      %dma_wait3A_331 = arith.constant 0 : i32
      %dma_wait3A_332 = tpu.memref_slice %arg2[%dma_wait3A_330, %dma_wait3A_331] : memref<20000x128xf32, #tpu.memory_space<hbm>> -> memref<20000x128xf32, #tpu.memory_space<hbm>>
      tpu.wait_indirect_dma semaphore(%arg21 : memref<!tpu.dma_semaphore, #tpu.memory_space<semaphore_mem>>) src(%dma_wait3A_332 : memref<20000x128xf32, #tpu.memory_space<hbm>>) dst(%arg14 : memref<112x128xf32, #tpu.memory_space<vmem>>)
      %add3A_333 = arith.constant 448 : i32
      %add3A_334 = arith.addi %add3A_187, %add3A_333 : i32
      "tpu.region"() ({
        %run_scoped3A = tpu.sem_alloc : memref<!tpu.dma_semaphore, #tpu.memory_space<semaphore_mem>>
        %dma_start3A_401 = tpu.memref_slice %arg3[%add3A_334] : memref<160000xi32, #tpu.memory_space<hbm>> -> memref<112xi32, #tpu.memory_space<hbm>>
        %dma_start3A_402 = tpu.memref_slice %arg3[%add3A_334] : memref<160000xi32, #tpu.memory_space<hbm>> -> memref<112xi32, #tpu.memory_space<hbm>>
        tpu.enqueue_dma source(%dma_start3A_402 : memref<112xi32, #tpu.memory_space<hbm>>) target(%arg9 : memref<112xi32, #tpu.memory_space<vmem>>) target_semaphore(%run_scoped3A : memref<!tpu.dma_semaphore, #tpu.memory_space<semaphore_mem>>)
        %dma_wait3A_403 = tpu.memref_slice %arg3[%add3A_334] : memref<160000xi32, #tpu.memory_space<hbm>> -> memref<112xi32, #tpu.memory_space<hbm>>
        %dma_wait3A_404 = tpu.memref_slice %arg3[%add3A_334] : memref<160000xi32, #tpu.memory_space<hbm>> -> memref<112xi32, #tpu.memory_space<hbm>>
        tpu.wait_dma2 semaphore(%run_scoped3A : memref<!tpu.dma_semaphore, #tpu.memory_space<semaphore_mem>>) src(%dma_wait3A_404 : memref<112xi32, #tpu.memory_space<hbm>>) dst(%arg9 : memref<112xi32, #tpu.memory_space<vmem>>)
        tpu.yield
      }) : () -> ()
      "tpu.region"() ({
        %run_scoped3A = tpu.sem_alloc : memref<!tpu.dma_semaphore, #tpu.memory_space<semaphore_mem>>
        %dma_start3A_401 = tpu.memref_slice %arg4[%add3A_334] : memref<160000xi32, #tpu.memory_space<hbm>> -> memref<112xi32, #tpu.memory_space<hbm>>
        %dma_start3A_402 = tpu.memref_slice %arg4[%add3A_334] : memref<160000xi32, #tpu.memory_space<hbm>> -> memref<112xi32, #tpu.memory_space<hbm>>
        tpu.enqueue_dma source(%dma_start3A_402 : memref<112xi32, #tpu.memory_space<hbm>>) target(%arg10 : memref<112xi32, #tpu.memory_space<vmem>>) target_semaphore(%run_scoped3A : memref<!tpu.dma_semaphore, #tpu.memory_space<semaphore_mem>>)
        %dma_wait3A_403 = tpu.memref_slice %arg4[%add3A_334] : memref<160000xi32, #tpu.memory_space<hbm>> -> memref<112xi32, #tpu.memory_space<hbm>>
        %dma_wait3A_404 = tpu.memref_slice %arg4[%add3A_334] : memref<160000xi32, #tpu.memory_space<hbm>> -> memref<112xi32, #tpu.memory_space<hbm>>
        tpu.wait_dma2 semaphore(%run_scoped3A : memref<!tpu.dma_semaphore, #tpu.memory_space<semaphore_mem>>) src(%dma_wait3A_404 : memref<112xi32, #tpu.memory_space<hbm>>) dst(%arg10 : memref<112xi32, #tpu.memory_space<vmem>>)
        tpu.yield
      }) : () -> ()
      %get3A_335 = arith.constant 0 : index
      %get3A_336 = tpu.vector_load %arg9[%get3A_335] {strides = array<i32>} : memref<112xi32, #tpu.memory_space<vmem>>, vector<16xi32>,
      %get3A_337 = vector.shape_cast %get3A_336 : vector<16xi32> to vector<16xi32>
      %add3A_338 = vector.broadcast %mul3A_0 : i32 to vector<16xi32>
      %add3A_339 = arith.addi %get3A_337, %add3A_338 : vector<16xi32>
      %swap3A_340 = arith.constant 0 : index
      %swap3A_341 = tpu.vector_load %arg9[%swap3A_340] {strides = array<i32>} : memref<112xi32, #tpu.memory_space<vmem>>, vector<16xi32>,
      %swap3A_342 = vector.shape_cast %swap3A_341 : vector<16xi32> to vector<16xi32>
      %swap3A_343 = vector.shape_cast %add3A_339 : vector<16xi32> to vector<16xi32>
      tpu.vector_store %arg9[%swap3A_340], %swap3A_343 {strides = array<i32>} : memref<112xi32, #tpu.memory_space<vmem>>, vector<16xi32>,
      %get3A_344 = arith.constant 16 : index
      %get3A_345 = tpu.vector_load %arg9[%get3A_344] {strides = array<i32>} : memref<112xi32, #tpu.memory_space<vmem>>, vector<16xi32>,
      %get3A_346 = vector.shape_cast %get3A_345 : vector<16xi32> to vector<16xi32>
      %add3A_347 = vector.broadcast %mul3A_0 : i32 to vector<16xi32>
      %add3A_348 = arith.addi %get3A_346, %add3A_347 : vector<16xi32>
      %swap3A_349 = arith.constant 16 : index
      %swap3A_350 = tpu.vector_load %arg9[%swap3A_349] {strides = array<i32>} : memref<112xi32, #tpu.memory_space<vmem>>, vector<16xi32>,
      %swap3A_351 = vector.shape_cast %swap3A_350 : vector<16xi32> to vector<16xi32>
      %swap3A_352 = vector.shape_cast %add3A_348 : vector<16xi32> to vector<16xi32>
      tpu.vector_store %arg9[%swap3A_349], %swap3A_352 {strides = array<i32>} : memref<112xi32, #tpu.memory_space<vmem>>, vector<16xi32>,
      %get3A_353 = arith.constant 32 : index
      %get3A_354 = tpu.vector_load %arg9[%get3A_353] {strides = array<i32>} : memref<112xi32, #tpu.memory_space<vmem>>, vector<16xi32>,
      %get3A_355 = vector.shape_cast %get3A_354 : vector<16xi32> to vector<16xi32>
      %add3A_356 = vector.broadcast %mul3A_0 : i32 to vector<16xi32>
      %add3A_357 = arith.addi %get3A_355, %add3A_356 : vector<16xi32>
      %swap3A_358 = arith.constant 32 : index
      %swap3A_359 = tpu.vector_load %arg9[%swap3A_358] {strides = array<i32>} : memref<112xi32, #tpu.memory_space<vmem>>, vector<16xi32>,
      %swap3A_360 = vector.shape_cast %swap3A_359 : vector<16xi32> to vector<16xi32>
      %swap3A_361 = vector.shape_cast %add3A_357 : vector<16xi32> to vector<16xi32>
      tpu.vector_store %arg9[%swap3A_358], %swap3A_361 {strides = array<i32>} : memref<112xi32, #tpu.memory_space<vmem>>, vector<16xi32>,
      %get3A_362 = arith.constant 48 : index
      %get3A_363 = tpu.vector_load %arg9[%get3A_362] {strides = array<i32>} : memref<112xi32, #tpu.memory_space<vmem>>, vector<16xi32>,
      %get3A_364 = vector.shape_cast %get3A_363 : vector<16xi32> to vector<16xi32>
      %add3A_365 = vector.broadcast %mul3A_0 : i32 to vector<16xi32>
      %add3A_366 = arith.addi %get3A_364, %add3A_365 : vector<16xi32>
      %swap3A_367 = arith.constant 48 : index
      %swap3A_368 = tpu.vector_load %arg9[%swap3A_367] {strides = array<i32>} : memref<112xi32, #tpu.memory_space<vmem>>, vector<16xi32>,
      %swap3A_369 = vector.shape_cast %swap3A_368 : vector<16xi32> to vector<16xi32>
      %swap3A_370 = vector.shape_cast %add3A_366 : vector<16xi32> to vector<16xi32>
      tpu.vector_store %arg9[%swap3A_367], %swap3A_370 {strides = array<i32>} : memref<112xi32, #tpu.memory_space<vmem>>, vector<16xi32>,
      %get3A_371 = arith.constant 64 : index
      %get3A_372 = tpu.vector_load %arg9[%get3A_371] {strides = array<i32>} : memref<112xi32, #tpu.memory_space<vmem>>, vector<16xi32>,
      %get3A_373 = vector.shape_cast %get3A_372 : vector<16xi32> to vector<16xi32>
      %add3A_374 = vector.broadcast %mul3A_0 : i32 to vector<16xi32>
      %add3A_375 = arith.addi %get3A_373, %add3A_374 : vector<16xi32>
      %swap3A_376 = arith.constant 64 : index
      %swap3A_377 = tpu.vector_load %arg9[%swap3A_376] {strides = array<i32>} : memref<112xi32, #tpu.memory_space<vmem>>, vector<16xi32>,
      %swap3A_378 = vector.shape_cast %swap3A_377 : vector<16xi32> to vector<16xi32>
      %swap3A_379 = vector.shape_cast %add3A_375 : vector<16xi32> to vector<16xi32>
      tpu.vector_store %arg9[%swap3A_376], %swap3A_379 {strides = array<i32>} : memref<112xi32, #tpu.memory_space<vmem>>, vector<16xi32>,
      %get3A_380 = arith.constant 80 : index
      %get3A_381 = tpu.vector_load %arg9[%get3A_380] {strides = array<i32>} : memref<112xi32, #tpu.memory_space<vmem>>, vector<16xi32>,
      %get3A_382 = vector.shape_cast %get3A_381 : vector<16xi32> to vector<16xi32>
      %add3A_383 = vector.broadcast %mul3A_0 : i32 to vector<16xi32>
      %add3A_384 = arith.addi %get3A_382, %add3A_383 : vector<16xi32>
      %swap3A_385 = arith.constant 80 : index
      %swap3A_386 = tpu.vector_load %arg9[%swap3A_385] {strides = array<i32>} : memref<112xi32, #tpu.memory_space<vmem>>, vector<16xi32>,
      %swap3A_387 = vector.shape_cast %swap3A_386 : vector<16xi32> to vector<16xi32>
      %swap3A_388 = vector.shape_cast %add3A_384 : vector<16xi32> to vector<16xi32>
      tpu.vector_store %arg9[%swap3A_385], %swap3A_388 {strides = array<i32>} : memref<112xi32, #tpu.memory_space<vmem>>, vector<16xi32>,
      %get3A_389 = arith.constant 96 : index
      %get3A_390 = tpu.vector_load %arg9[%get3A_389] {strides = array<i32>} : memref<112xi32, #tpu.memory_space<vmem>>, vector<16xi32>,
      %get3A_391 = vector.shape_cast %get3A_390 : vector<16xi32> to vector<16xi32>
      %add3A_392 = vector.broadcast %mul3A_0 : i32 to vector<16xi32>
      %add3A_393 = arith.addi %get3A_391, %add3A_392 : vector<16xi32>
      %swap3A_394 = arith.constant 96 : index
      %swap3A_395 = tpu.vector_load %arg9[%swap3A_394] {strides = array<i32>} : memref<112xi32, #tpu.memory_space<vmem>>, vector<16xi32>,
      %swap3A_396 = vector.shape_cast %swap3A_395 : vector<16xi32> to vector<16xi32>
      %swap3A_397 = vector.shape_cast %add3A_393 : vector<16xi32> to vector<16xi32>
      tpu.vector_store %arg9[%swap3A_394], %swap3A_397 {strides = array<i32>} : memref<112xi32, #tpu.memory_space<vmem>>, vector<16xi32>,
      %dma_start3A_398 = arith.constant 0 : i32
      %dma_start3A_399 = arith.constant 0 : i32
      %dma_start3A_400 = tpu.memref_slice %arg2[%dma_start3A_398, %dma_start3A_399] : memref<20000x128xf32, #tpu.memory_space<hbm>> -> memref<20000x128xf32, #tpu.memory_space<hbm>>
      tpu.enqueue_indirect_dma source(%dma_start3A_400 : memref<20000x128xf32, #tpu.memory_space<hbm>>) target(%arg11 : memref<112x128xf32, #tpu.memory_space<vmem>>) offsets(%arg9 : memref<112xi32, #tpu.memory_space<vmem>>) semaphore(%arg20 : memref<!tpu.dma_semaphore, #tpu.memory_space<semaphore_mem>>)
      "tpu.region"() ({
        %run_scoped3A = tpu.sem_alloc : memref<!tpu.dma_semaphore, #tpu.memory_space<semaphore_mem>>
        %dma_start3A_401 = arith.constant 0 : i32
        %dma_start3A_402 = arith.constant 0 : i32
        %dma_start3A_403 = tpu.memref_slice %arg18[%dma_start3A_401, %dma_start3A_402] : memref<10000x128xf32, #tpu.memory_space<vmem_shared>> -> memref<10000x128xf32, #tpu.memory_space<vmem_shared>>
        tpu.enqueue_indirect_dma source(%arg14 : memref<112x128xf32, #tpu.memory_space<vmem>>) target(%dma_start3A_403 : memref<10000x128xf32, #tpu.memory_space<vmem_shared>>) offsets(%arg13 : memref<112xi32, #tpu.memory_space<vmem>>) semaphore(%run_scoped3A : memref<!tpu.dma_semaphore, #tpu.memory_space<semaphore_mem>>) {add = true}
        %dma_wait3A_404 = arith.constant 0 : i32
        %dma_wait3A_405 = arith.constant 0 : i32
        %dma_wait3A_406 = tpu.memref_slice %arg18[%dma_wait3A_404, %dma_wait3A_405] : memref<10000x128xf32, #tpu.memory_space<vmem_shared>> -> memref<10000x128xf32, #tpu.memory_space<vmem_shared>>
        tpu.wait_indirect_dma semaphore(%run_scoped3A : memref<!tpu.dma_semaphore, #tpu.memory_space<semaphore_mem>>) src(%arg14 : memref<112x128xf32, #tpu.memory_space<vmem>>) dst(%dma_wait3A_406 : memref<10000x128xf32, #tpu.memory_space<vmem_shared>>)
        tpu.yield
      }) : () -> ()
    }
    %scan3A_141 = arith.constant 29 : i32
    %dma_wait3A = arith.constant 0 : i32
    %dma_wait3A_142 = arith.constant 0 : i32
    %dma_wait3A_143 = tpu.memref_slice %arg2[%dma_wait3A, %dma_wait3A_142] : memref<20000x128xf32, #tpu.memory_space<hbm>> -> memref<20000x128xf32, #tpu.memory_space<hbm>>
    tpu.wait_indirect_dma semaphore(%arg19 : memref<!tpu.dma_semaphore, #tpu.memory_space<semaphore_mem>>) src(%dma_wait3A_143 : memref<20000x128xf32, #tpu.memory_space<hbm>>) dst(%arg8 : memref<112x128xf32, #tpu.memory_space<vmem>>)
    "tpu.region"() ({
      %run_scoped3A = tpu.sem_alloc : memref<!tpu.dma_semaphore, #tpu.memory_space<semaphore_mem>>
      %dma_start3A_180 = arith.constant 0 : i32
      %dma_start3A_181 = arith.constant 0 : i32
      %dma_start3A_182 = tpu.memref_slice %arg18[%dma_start3A_180, %dma_start3A_181] : memref<10000x128xf32, #tpu.memory_space<vmem_shared>> -> memref<10000x128xf32, #tpu.memory_space<vmem_shared>>
      tpu.enqueue_indirect_dma source(%arg8 : memref<112x128xf32, #tpu.memory_space<vmem>>) target(%dma_start3A_182 : memref<10000x128xf32, #tpu.memory_space<vmem_shared>>) offsets(%arg7 : memref<112xi32, #tpu.memory_space<vmem>>) semaphore(%run_scoped3A : memref<!tpu.dma_semaphore, #tpu.memory_space<semaphore_mem>>) {add = true}
      %dma_wait3A_183 = arith.constant 0 : i32
      %dma_wait3A_184 = arith.constant 0 : i32
      %dma_wait3A_185 = tpu.memref_slice %arg18[%dma_wait3A_183, %dma_wait3A_184] : memref<10000x128xf32, #tpu.memory_space<vmem_shared>> -> memref<10000x128xf32, #tpu.memory_space<vmem_shared>>
      tpu.wait_indirect_dma semaphore(%run_scoped3A : memref<!tpu.dma_semaphore, #tpu.memory_space<semaphore_mem>>) src(%arg8 : memref<112x128xf32, #tpu.memory_space<vmem>>) dst(%dma_wait3A_185 : memref<10000x128xf32, #tpu.memory_space<vmem_shared>>)
      tpu.yield
    }) : () -> ()
    %dma_wait3A_144 = arith.constant 0 : i32
    %dma_wait3A_145 = arith.constant 0 : i32
    %dma_wait3A_146 = tpu.memref_slice %arg2[%dma_wait3A_144, %dma_wait3A_145] : memref<20000x128xf32, #tpu.memory_space<hbm>> -> memref<20000x128xf32, #tpu.memory_space<hbm>>
    tpu.wait_indirect_dma semaphore(%arg20 : memref<!tpu.dma_semaphore, #tpu.memory_space<semaphore_mem>>) src(%dma_wait3A_146 : memref<20000x128xf32, #tpu.memory_space<hbm>>) dst(%arg11 : memref<112x128xf32, #tpu.memory_space<vmem>>)
    "tpu.region"() ({
      %run_scoped3A = tpu.sem_alloc : memref<!tpu.dma_semaphore, #tpu.memory_space<semaphore_mem>>
      %dma_start3A_180 = arith.constant 0 : i32
      %dma_start3A_181 = arith.constant 0 : i32
      %dma_start3A_182 = tpu.memref_slice %arg18[%dma_start3A_180, %dma_start3A_181] : memref<10000x128xf32, #tpu.memory_space<vmem_shared>> -> memref<10000x128xf32, #tpu.memory_space<vmem_shared>>
      tpu.enqueue_indirect_dma source(%arg11 : memref<112x128xf32, #tpu.memory_space<vmem>>) target(%dma_start3A_182 : memref<10000x128xf32, #tpu.memory_space<vmem_shared>>) offsets(%arg10 : memref<112xi32, #tpu.memory_space<vmem>>) semaphore(%run_scoped3A : memref<!tpu.dma_semaphore, #tpu.memory_space<semaphore_mem>>) {add = true}
      %dma_wait3A_183 = arith.constant 0 : i32
      %dma_wait3A_184 = arith.constant 0 : i32
      %dma_wait3A_185 = tpu.memref_slice %arg18[%dma_wait3A_183, %dma_wait3A_184] : memref<10000x128xf32, #tpu.memory_space<vmem_shared>> -> memref<10000x128xf32, #tpu.memory_space<vmem_shared>>
      tpu.wait_indirect_dma semaphore(%run_scoped3A : memref<!tpu.dma_semaphore, #tpu.memory_space<semaphore_mem>>) src(%arg11 : memref<112x128xf32, #tpu.memory_space<vmem>>) dst(%dma_wait3A_185 : memref<10000x128xf32, #tpu.memory_space<vmem_shared>>)
      tpu.yield
    }) : () -> ()
    %add3A_147 = arith.constant 9968 : i32
    %add3A_148 = arith.addi %mul3A_6, %add3A_147 : i32
    "tpu.region"() ({
      %run_scoped3A = tpu.sem_alloc : memref<!tpu.dma_semaphore, #tpu.memory_space<semaphore_mem>>
      %dma_start3A_180 = tpu.memref_slice %arg3[%add3A_148] : memref<160000xi32, #tpu.memory_space<hbm>> -> memref<32xi32, #tpu.memory_space<hbm>>
      %dma_start3A_181 = tpu.memref_slice %arg3[%add3A_148] : memref<160000xi32, #tpu.memory_space<hbm>> -> memref<32xi32, #tpu.memory_space<hbm>>
      tpu.enqueue_dma source(%dma_start3A_181 : memref<32xi32, #tpu.memory_space<hbm>>) target(%arg15 : memref<32xi32, #tpu.memory_space<vmem>>) target_semaphore(%run_scoped3A : memref<!tpu.dma_semaphore, #tpu.memory_space<semaphore_mem>>)
      %dma_wait3A_182 = tpu.memref_slice %arg3[%add3A_148] : memref<160000xi32, #tpu.memory_space<hbm>> -> memref<32xi32, #tpu.memory_space<hbm>>
      %dma_wait3A_183 = tpu.memref_slice %arg3[%add3A_148] : memref<160000xi32, #tpu.memory_space<hbm>> -> memref<32xi32, #tpu.memory_space<hbm>>
      tpu.wait_dma2 semaphore(%run_scoped3A : memref<!tpu.dma_semaphore, #tpu.memory_space<semaphore_mem>>) src(%dma_wait3A_183 : memref<32xi32, #tpu.memory_space<hbm>>) dst(%arg15 : memref<32xi32, #tpu.memory_space<vmem>>)
      tpu.yield
    }) : () -> ()
    "tpu.region"() ({
      %run_scoped3A = tpu.sem_alloc : memref<!tpu.dma_semaphore, #tpu.memory_space<semaphore_mem>>
      %dma_start3A_180 = tpu.memref_slice %arg4[%add3A_148] : memref<160000xi32, #tpu.memory_space<hbm>> -> memref<32xi32, #tpu.memory_space<hbm>>
      %dma_start3A_181 = tpu.memref_slice %arg4[%add3A_148] : memref<160000xi32, #tpu.memory_space<hbm>> -> memref<32xi32, #tpu.memory_space<hbm>>
      tpu.enqueue_dma source(%dma_start3A_181 : memref<32xi32, #tpu.memory_space<hbm>>) target(%arg16 : memref<32xi32, #tpu.memory_space<vmem>>) target_semaphore(%run_scoped3A : memref<!tpu.dma_semaphore, #tpu.memory_space<semaphore_mem>>)
      %dma_wait3A_182 = tpu.memref_slice %arg4[%add3A_148] : memref<160000xi32, #tpu.memory_space<hbm>> -> memref<32xi32, #tpu.memory_space<hbm>>
      %dma_wait3A_183 = tpu.memref_slice %arg4[%add3A_148] : memref<160000xi32, #tpu.memory_space<hbm>> -> memref<32xi32, #tpu.memory_space<hbm>>
      tpu.wait_dma2 semaphore(%run_scoped3A : memref<!tpu.dma_semaphore, #tpu.memory_space<semaphore_mem>>) src(%dma_wait3A_183 : memref<32xi32, #tpu.memory_space<hbm>>) dst(%arg16 : memref<32xi32, #tpu.memory_space<vmem>>)
      tpu.yield
    }) : () -> ()
    %get3A_149 = arith.constant 0 : index
    %get3A_150 = tpu.vector_load %arg15[%get3A_149] {strides = array<i32>} : memref<32xi32, #tpu.memory_space<vmem>>, vector<16xi32>,
    %get3A_151 = vector.shape_cast %get3A_150 : vector<16xi32> to vector<16xi32>
    %add3A_152 = vector.broadcast %mul3A_0 : i32 to vector<16xi32>
    %add3A_153 = arith.addi %get3A_151, %add3A_152 : vector<16xi32>
    %swap3A_154 = arith.constant 0 : index
    %swap3A_155 = tpu.vector_load %arg15[%swap3A_154] {strides = array<i32>} : memref<32xi32, #tpu.memory_space<vmem>>, vector<16xi32>,
    %swap3A_156 = vector.shape_cast %swap3A_155 : vector<16xi32> to vector<16xi32>
    %swap3A_157 = vector.shape_cast %add3A_153 : vector<16xi32> to vector<16xi32>
    tpu.vector_store %arg15[%swap3A_154], %swap3A_157 {strides = array<i32>} : memref<32xi32, #tpu.memory_space<vmem>>, vector<16xi32>,
    %get3A_158 = arith.constant 16 : index
    %get3A_159 = tpu.vector_load %arg15[%get3A_158] {strides = array<i32>} : memref<32xi32, #tpu.memory_space<vmem>>, vector<16xi32>,
    %get3A_160 = vector.shape_cast %get3A_159 : vector<16xi32> to vector<16xi32>
    %add3A_161 = vector.broadcast %mul3A_0 : i32 to vector<16xi32>
    %add3A_162 = arith.addi %get3A_160, %add3A_161 : vector<16xi32>
    %swap3A_163 = arith.constant 16 : index
    %swap3A_164 = tpu.vector_load %arg15[%swap3A_163] {strides = array<i32>} : memref<32xi32, #tpu.memory_space<vmem>>, vector<16xi32>,
    %swap3A_165 = vector.shape_cast %swap3A_164 : vector<16xi32> to vector<16xi32>
    %swap3A_166 = vector.shape_cast %add3A_162 : vector<16xi32> to vector<16xi32>
    tpu.vector_store %arg15[%swap3A_163], %swap3A_166 {strides = array<i32>} : memref<32xi32, #tpu.memory_space<vmem>>, vector<16xi32>,
    %dma_start3A_167 = arith.constant 0 : i32
    %dma_start3A_168 = arith.constant 0 : i32
    %dma_start3A_169 = tpu.memref_slice %arg2[%dma_start3A_167, %dma_start3A_168] : memref<20000x128xf32, #tpu.memory_space<hbm>> -> memref<20000x128xf32, #tpu.memory_space<hbm>>
    tpu.enqueue_indirect_dma source(%dma_start3A_169 : memref<20000x128xf32, #tpu.memory_space<hbm>>) target(%arg17 : memref<32x128xf32, #tpu.memory_space<vmem>>) offsets(%arg15 : memref<32xi32, #tpu.memory_space<vmem>>) semaphore(%arg19 : memref<!tpu.dma_semaphore, #tpu.memory_space<semaphore_mem>>)
    %dma_wait3A_170 = arith.constant 0 : i32
    %dma_wait3A_171 = arith.constant 0 : i32
    %dma_wait3A_172 = tpu.memref_slice %arg2[%dma_wait3A_170, %dma_wait3A_171] : memref<20000x128xf32, #tpu.memory_space<hbm>> -> memref<20000x128xf32, #tpu.memory_space<hbm>>
    tpu.wait_indirect_dma semaphore(%arg19 : memref<!tpu.dma_semaphore, #tpu.memory_space<semaphore_mem>>) src(%dma_wait3A_172 : memref<20000x128xf32, #tpu.memory_space<hbm>>) dst(%arg17 : memref<32x128xf32, #tpu.memory_space<vmem>>)
    "tpu.region"() ({
      %run_scoped3A = tpu.sem_alloc : memref<!tpu.dma_semaphore, #tpu.memory_space<semaphore_mem>>
      %dma_start3A_180 = arith.constant 0 : i32
      %dma_start3A_181 = arith.constant 0 : i32
      %dma_start3A_182 = tpu.memref_slice %arg18[%dma_start3A_180, %dma_start3A_181] : memref<10000x128xf32, #tpu.memory_space<vmem_shared>> -> memref<10000x128xf32, #tpu.memory_space<vmem_shared>>
      tpu.enqueue_indirect_dma source(%arg17 : memref<32x128xf32, #tpu.memory_space<vmem>>) target(%dma_start3A_182 : memref<10000x128xf32, #tpu.memory_space<vmem_shared>>) offsets(%arg16 : memref<32xi32, #tpu.memory_space<vmem>>) semaphore(%run_scoped3A : memref<!tpu.dma_semaphore, #tpu.memory_space<semaphore_mem>>) {add = true}
      %dma_wait3A_183 = arith.constant 0 : i32
      %dma_wait3A_184 = arith.constant 0 : i32
      %dma_wait3A_185 = tpu.memref_slice %arg18[%dma_wait3A_183, %dma_wait3A_184] : memref<10000x128xf32, #tpu.memory_space<vmem_shared>> -> memref<10000x128xf32, #tpu.memory_space<vmem_shared>>
      tpu.wait_indirect_dma semaphore(%run_scoped3A : memref<!tpu.dma_semaphore, #tpu.memory_space<semaphore_mem>>) src(%arg17 : memref<32x128xf32, #tpu.memory_space<vmem>>) dst(%dma_wait3A_185 : memref<10000x128xf32, #tpu.memory_space<vmem_shared>>)
      tpu.yield
    }) : () -> ()
    %barrier3A_173 = arith.constant 0 : index
    tpu.barrier barrier_id(%barrier3A_173)
    %add3A_174 = arith.addi %mul3A_0, %mul3A_2 : i32
    "tpu.region"() ({
      %run_scoped3A = tpu.sem_alloc : memref<!tpu.dma_semaphore, #tpu.memory_space<semaphore_mem>>
      %dma_start3A_180 = arith.constant 0 : i32
      %dma_start3A_181 = tpu.memref_slice %arg5[%add3A_174, %dma_start3A_180] : memref<20000x128xf32, #tpu.memory_space<hbm>> -> memref<624x128xf32, #tpu.memory_space<hbm>>
      %dma_start3A_182 = arith.constant 0 : i32
      %dma_start3A_183 = tpu.memref_slice %arg18[%mul3A_2, %dma_start3A_182] : memref<10000x128xf32, #tpu.memory_space<vmem_shared>> -> memref<624x128xf32, #tpu.memory_space<vmem_shared>>
      tpu.enqueue_dma source(%dma_start3A_183 : memref<624x128xf32, #tpu.memory_space<vmem_shared>>) target(%dma_start3A_181 : memref<624x128xf32, #tpu.memory_space<hbm>>) target_semaphore(%run_scoped3A : memref<!tpu.dma_semaphore, #tpu.memory_space<semaphore_mem>>)
      %dma_wait3A_184 = arith.constant 0 : i32
      %dma_wait3A_185 = tpu.memref_slice %arg5[%add3A_174, %dma_wait3A_184] : memref<20000x128xf32, #tpu.memory_space<hbm>> -> memref<624x128xf32, #tpu.memory_space<hbm>>
      %dma_wait3A_186 = arith.constant 0 : i32
      %dma_wait3A_187 = tpu.memref_slice %arg18[%mul3A_2, %dma_wait3A_186] : memref<10000x128xf32, #tpu.memory_space<vmem_shared>> -> memref<624x128xf32, #tpu.memory_space<vmem_shared>>
      tpu.wait_dma2 semaphore(%run_scoped3A : memref<!tpu.dma_semaphore, #tpu.memory_space<semaphore_mem>>) src(%dma_wait3A_187 : memref<624x128xf32, #tpu.memory_space<vmem_shared>>) dst(%dma_wait3A_185 : memref<624x128xf32, #tpu.memory_space<hbm>>)
      tpu.yield
    }) : () -> ()
    %eq3A_175 = arith.constant 15 : i32
    %eq3A_176 = arith.cmpi eq, %arg1, %eq3A_175 : i32
    %convert_element_type3A_177 = arith.extui %eq3A_176 : i1 to i32
    %cond3A_178 = arith.constant 0 : i32
    %cond3A_179 = arith.cmpi ne, %convert_element_type3A_177, %cond3A_178 : i32
    scf.if %cond3A_179 {
      %add3A_180 = arith.constant 9984 : i32
      %add3A_181 = arith.addi %mul3A_0, %add3A_180 : i32
      "tpu.region"() ({
        %run_scoped3A = tpu.sem_alloc : memref<!tpu.dma_semaphore, #tpu.memory_space<semaphore_mem>>
        %dma_start3A_182 = arith.constant 0 : i32
        %dma_start3A_183 = tpu.memref_slice %arg5[%add3A_181, %dma_start3A_182] : memref<20000x128xf32, #tpu.memory_space<hbm>> -> memref<16x128xf32, #tpu.memory_space<hbm>>
        %dma_start3A_184 = arith.constant 9984 : i32
        %dma_start3A_185 = arith.constant 0 : i32
        %dma_start3A_186 = tpu.memref_slice %arg18[%dma_start3A_184, %dma_start3A_185] : memref<10000x128xf32, #tpu.memory_space<vmem_shared>> -> memref<16x128xf32, #tpu.memory_space<vmem_shared>>
        tpu.enqueue_dma source(%dma_start3A_186 : memref<16x128xf32, #tpu.memory_space<vmem_shared>>) target(%dma_start3A_183 : memref<16x128xf32, #tpu.memory_space<hbm>>) target_semaphore(%run_scoped3A : memref<!tpu.dma_semaphore, #tpu.memory_space<semaphore_mem>>)
        %dma_wait3A_187 = arith.constant 0 : i32
        %dma_wait3A_188 = tpu.memref_slice %arg5[%add3A_181, %dma_wait3A_187] : memref<20000x128xf32, #tpu.memory_space<hbm>> -> memref<16x128xf32, #tpu.memory_space<hbm>>
        %dma_wait3A_189 = arith.constant 9984 : i32
        %dma_wait3A_190 = arith.constant 0 : i32
        %dma_wait3A_191 = tpu.memref_slice %arg18[%dma_wait3A_189, %dma_wait3A_190] : memref<10000x128xf32, #tpu.memory_space<vmem_shared>> -> memref<16x128xf32, #tpu.memory_space<vmem_shared>>
        tpu.wait_dma2 semaphore(%run_scoped3A : memref<!tpu.dma_semaphore, #tpu.memory_space<semaphore_mem>>) src(%dma_wait3A_191 : memref<16x128xf32, #tpu.memory_space<vmem_shared>>) dst(%dma_wait3A_188 : memref<16x128xf32, #tpu.memory_space<hbm>>)
        tpu.yield
      }) : () -> ()
    } else {
    }
    return
  }
}

</mosaic_0001>

<sc_bundles>
// kernel: _sc_agg.3.cloned.1.call-start
scs
__scs_entry_jumppad:
0x0: {  	(pc) =	sbr.rel $0x88, $3  }
0x1: {  	(tag) =	ssettag $0x0;
	lr =	simm.s32 $0x1  }
0x2: {  	[smem:$0x3F9E] =	sst lr;
	_ =	strace $0xD0000000  }
0x3: {  	_ = 	snop  }
0x4: {  	_ = 	snop  }
0x5: {  	_ = 	snop  }
0x6: {  	_ = 	snop  }
0x7: {  	_ = 	snop  }
__scs_overlays_trampoline_lowered:
0x8: {  	[smem:$0x3FAD] =	sst s0  }
0x9: {  	[smem:$0x3FAE] =	sst s1  }
0xa: {  	[smem:$0x3FAF] =	sst s2  }
0xb: {  	[smem:$0x3FB0] =	sst s3  }
0xc: {  	[smem:$0x3FB1] =	sst s4  }
0xd: {  	[smem:$0x3FB2] =	sst s5  }
0xe: {  	[smem:$0x3FB3] =	sst s6  }
0xf: {  	[smem:$0x3FB4] =	sst s7  }
0x10: {  	[smem:$0x3FB5] =	sst s8  }
0x11: {  	[smem:$0x3FB6] =	sst s9;
	s0 =	simm.s32 @!p0 $0x0  }
0x12: {  	s1 =	sld [smem:$0x3F9C];
	s0 =	simm.s32 @p0 $0x1  }
0x13: {  	[smem:$0x3FB7] =	sst s0;
	s0 =	simm.s32 @!p1 $0x0  }
0x14: {  	s2 =	sld [smem:$0x3F9B];
	s0 =	simm.s32 @p1 $0x1  }
0x15: {  	[smem:$0x3FB8] =	sst s0;
	s0 =	simm.s32 @!p2 $0x0  }
0x16: {  	s3 =	sld [smem:$0x3FDB];
	s0 =	simm.s32 @p2 $0x1  }
0x17: {  	s4 =	simm.s32 $0x1BF5;
	[smem:$0x3FBA] =	sst s0  }
0x18: {  	s0 =	sld [smem:$0x3F9D];
	_ =	swait.ge [sflag:s4], $0x0  }
0x19: {  	s7 =	sld [smem:$0x3F9E]  }
0x1a: {  	s8 =	sadd.s32 $0xFFFFE003, lr  }
0x1b: {  	s9 =	sadd.s32 $0xFFFFFEF7, lr;
	s5 =	simm.s32 $0xFFFFFFFF;
	p2 =	slt.u32 s8, $0xFFFFF086  }
0x1c: {  	p1 =	slt.u32 s9, $0xF7A;
	s5 =	simm.s32 @!p2 $0x0  }
0x1d: {  	s5 =	simm.s32 @p1 $0x1;
	p0 =	seq.s32 s7, s2  }
0x1e: {  	s7 =	smul.u32 @!p0 $0xF7A, s2;
	p2 =	seq.s32 @!p0 s5, $0x0  }
0x1f: {  	s9 =	smul.u32 $0xF7A, s1;
	s8 =	simm.s32 @!p0 $0x1BF5;
	p2 =	por !p2, p0  }
0x20: {  	[sflag:s8] =	ssyncset.s32 @!p0 $0xFFFFF086;
	s6 =	sadd.s32 @!p0 s3, s7;
	s7 =	simm.s32 @!p0 $0x108  }
0x21: {  	s3 =	sadd.s32 s3, s9;
	s6 =	sadd.s32 @!p0 $0x88, s6;
	s7 =	simm.s32 @p2 $0x1082  }
0x22: {  	[simem:s7], [sflag:s8] =	dma.local @!p0 [hbm:s6], $0xF7A  }
0x23: {  	s9 =	sor.u32 $0xD0000000, s2;
	s6 =	simm.s32 $0x108;
	_ =	swait.ge @!p0 [sflag:s8], $0x0  }
0x24: {  	s3 =	sadd.s32 $0x88, s3;
	s6 =	simm.s32 @!p1 $0x1082;
	[sflag:s4] =	ssyncset.s32 $0xFFFFF086  }
0x25: {  	[simem:s6], [sflag:s4] =	dma.local [hbm:s3], $0xF7A  }
0x26: {  	[smem:$0x3F9E] =	sst s1;
	(tag) =	ssettag s2;
	_ =	strace s9  }
0x27: {  	s1 =	sld [smem:$0x3FAE]  }
0x28: {  	s2 =	sld [smem:$0x3FAF]  }
0x29: {  	s4 =	sld [smem:$0x3FB1]  }
0x2a: {  	p0 =	seq.s32 s5, $0x0;
	s5 =	sld [smem:$0x3FB2]  }
0x2b: {  	s6 =	sld [smem:$0x3FB3]  }
0x2c: {  	s7 =	sld [smem:$0x3FB4]  }
0x2d: {  	s3 =	simm.s32 $0x108;
	s8 =	sld [smem:$0x3FB5]  }
0x2e: {  	s3 =	simm.s32 @!p0 $0x1082;
	s9 =	sld [smem:$0x3FB6]  }
0x2f: {  	lr =	sadd.s32 s0, s3;
	s0 =	sld [smem:$0x3FAD]  }
0x30: {  	s3 =	sld [smem:$0x3FB0]  }
0x31: {  	[smem:$0x3FB9] =	sst s10  }
0x32: {  	s10 =	sld [smem:$0x3FB7];
	_ =	sdelay $0x3  }
0x33: {  	p0 =	seq.s32 s10, $0x1;
	s10 =	sld [smem:$0x3FB9];
	_ =	sdelay $0x3  }
0x34: {  	[smem:$0x3FB9] =	sst s10  }
0x35: {  	s10 =	sld [smem:$0x3FB8];
	_ =	sdelay $0x3  }
0x36: {  	p1 =	seq.s32 s10, $0x1;
	s10 =	sld [smem:$0x3FB9];
	_ =	sdelay $0x3  }
0x37: {  	[smem:$0x3FB9] =	sst s10  }
0x38: {  	s10 =	sld [smem:$0x3FBA]  }
0x39: {  	_ = 	snop;
	(pc) =	sbr.ind lr, $3  }
0x3a: {  	_ = 	snop  }
0x3b: {  	_ = 	snop  }
0x3c: {  	p2 =	seq.s32 s10, $0x1;
	s10 =	sld [smem:$0x3FB9]  }
0x3d: {  	_ =	shalt  }
0x3e: {  	_ =	shalt  }
0x3f: {  	_ =	shalt  }
0x40: {  	_ =	shalt  }
0x41: {  	_ =	shalt  }
0x42: {  	_ =	shalt  }
0x43: {  	_ =	shalt  }
0x44: {  	_ =	shalt  }
0x45: {  	_ =	shalt  }
0x46: {  	_ =	shalt  }
0x47: {  	_ =	shalt  }
0x48: {  	_ =	shalt  }
0x49: {  	_ =	shalt  }
0x4a: {  	_ =	shalt  }
0x4b: {  	_ =	shalt  }
0x4c: {  	_ =	shalt  }
0x4d: {  	_ =	shalt  }
0x4e: {  	_ =	shalt  }
0x4f: {  	_ =	shalt  }
0x50: {  	_ =	shalt  }
0x51: {  	_ =	shalt  }
0x52: {  	_ =	shalt  }
0x53: {  	_ =	shalt  }
0x54: {  	_ =	shalt  }
0x55: {  	_ =	shalt  }
0x56: {  	_ =	shalt  }
0x57: {  	_ =	shalt  }
0x58: {  	_ =	shalt  }
0x59: {  	_ =	shalt  }
0x5a: {  	_ =	shalt  }
0x5b: {  	_ =	shalt  }
0x5c: {  	_ =	shalt  }
0x5d: {  	_ =	shalt  }
0x5e: {  	_ =	shalt  }
0x5f: {  	_ =	shalt  }
0x60: {  	_ =	shalt  }
0x61: {  	_ =	shalt  }
0x62: {  	_ =	shalt  }
0x63: {  	_ =	shalt  }
0x64: {  	_ =	shalt  }
0x65: {  	_ =	shalt  }
0x66: {  	_ =	shalt  }
0x67: {  	_ =	shalt  }
0x68: {  	_ =	shalt  }
0x69: {  	_ =	shalt  }
0x6a: {  	_ =	shalt  }
0x6b: {  	_ =	shalt  }
0x6c: {  	_ =	shalt  }
0x6d: {  	_ =	shalt  }
0x6e: {  	_ =	shalt  }
0x6f: {  	_ =	shalt  }
0x70: {  	_ =	shalt  }
0x71: {  	_ =	shalt  }
0x72: {  	_ =	shalt  }
0x73: {  	_ =	shalt  }
0x74: {  	_ =	shalt  }
0x75: {  	_ =	shalt  }
0x76: {  	_ =	shalt  }
0x77: {  	_ =	shalt  }
0x78: {  	_ =	shalt  }
0x79: {  	_ =	shalt  }
0x7a: {  	_ =	shalt  }
0x7b: {  	_ =	shalt  }
0x7c: {  	_ =	shalt  }
0x7d: {  	_ =	shalt  }
0x7e: {  	_ =	shalt  }
0x7f: {  	_ =	shalt  }
0x80: {  	_ =	shalt  }
0x81: {  	_ =	shalt  }
0x82: {  	_ =	shalt  }
0x83: {  	_ =	shalt  }
0x84: {  	_ =	shalt  }
0x85: {  	_ =	shalt  }
0x86: {  	_ =	shalt  }
0x87: {  	_ =	shalt  }
.Lfunc_end0:
.L_simem_size_0:
called_computation_lowered:
.L_overlay_start_0:
0x88: {  	s2 =	sld [smem:$0x3FD9]  }
0x89: {  	s3 =	sld [smem:$0x3FFE];
	_ =	sdelay $0x1  }
0x8a: {  	s1 =	srdreg.scid  }
0x8b: {  	s0 =	sand.u32 $0x1, s1  }
0x8c: {  	s18 =	sshll.u32 s0, $0xA;
	s2 =	sadd.s32 s3, s2  }
0x8d: {  	s2 =	sadd.s32 s2, s18  }
0x8e: {  	[smem:$0x3FC5] =	sst s2  }
0x8f: {  	_ = 	snop  }
0x90: {  	s2 =	sld [smem:$0x3FC9]  }
0x91: {  	s19 =	sld [smem:$0x3FC8]  }
0x92: {  	s4 =	sld [smem:$0x3FC7]  }
0x93: {  	s5 =	sld [smem:$0x3FD0];
	(tm) =	ssettm $0x1  }
0x94: {  	s6 =	sld [smem:$0x3FFB];
	_ =	sdelay $0x3  }
0x95: {  	_ =	strace s6  }
0x96: {  	s6 =	sld [smem:$0x3FFC];
	_ =	sdelay $0x3  }
0x97: {  	_ =	strace s6  }
0x98: {  	s6 =	sld [smem:$0x3FFD];
	_ =	sdelay $0x3  }
0x99: {  	_ =	strace s6  }
0x9a: {  	_ =	strace $0x8FFFFFFF  }
0x9b: {  	s20 =	sld [smem:$0x3FDB];
	_ =	sdelay $0x1  }
0x9c: {  	s7 =	simm.s32 $_scs_section_size  }
0x9d: {  	s8 =	simm.s32 $_size__tile_overlayer_lowered;
	s9 =	simm.s32 $_tile_overlayer_lowered  }
0x9e: {  	s23 =	simm.s32 $0x1BFF;
	s22 =	sshll.u32 s9, $0x1;
	s6 =	sadd.s32 s7, s20  }
0x9f: {  	s10 =	simm.s32 $0x0;
	s21 =	sshll.u32 s8, $0x1;
	s8 =	sadd.s32 s22, s6  }
0xa0: {  	[timem:s10], [sflag:s23] =	dma.local [hbm:s8], s21  }
0xa1: {  	_ =	swait.ge [sflag:s23], s21  }
0xa2: {  	s7 =	ssub.s32 $0x0, s21;
	[sflag:s23] =	ssyncset.done $0x0  }
0xa3: {  	[sflag:s23] =	ssyncadd.s32 s7;
	_ =	sdelay $0x1  }
0xa4: {  	s24 =	simm.s32 $0x1B8B  }
0xa5: {  	_ =	swait.ge [sflag:s24], $0x1  }
0xa6: {  	[sflag:s24] =	ssyncset.done $0x0  }
0xa7: {  	s25 =	simm.s32 $0x1B8E;
	[sflag:s24] =	ssyncadd.s32 $0xFFFFFFFF  }
0xa8: {  	s26 =	simm.s32 $execute0_lowered;
	[smem:$0x3FD2] =	sst s25  }
0xa9: {  	s7 =	sshll.u32 s26, $0x1;
	_ =	strace $0x80000046;
	[dreg:$0x1] =	wrdreg $0xFFFFFFFF  }
0xaa: {  	s28 =	simm.s32 $_size_execute0_lowered;
	s6 =	sadd.s32 s6, s7;
	[dreg:$0x0] =	wrdreg $0x0  }
0xab: {  	s7 =	sshll.u32 s28, $0x1;
	[dreg:$0x2] =	wrdreg s6  }
0xac: {  	[dreg:$0x3] =	wrdreg s7  }
0xad: {  	[dreg:$0x4] =	wrdreg $0xC0  }
0xae: {  	_ =	task [dreg:s10], $0x5FFFF  }
0xaf: {  	[dreg:$0x1] =	wrdreg $0xFFFFFFFF  }
0xb0: {  	[dreg:$0x0] =	wrdreg $0x60  }
0xb1: {  	[dreg:$0x2] =	wrdreg s2  }
0xb2: {  	[dreg:$0x3] =	wrdreg s19  }
0xb3: {  	[dreg:$0x4] =	wrdreg s4  }
0xb4: {  	[dreg:$0x5] =	wrdreg s5  }
0xb5: {  	[dreg:$0x6] =	wrdreg $0xBC000  }
0xb6: {  	[dreg:$0x7] =	wrdreg $0x9  }
0xb7: {  	_ =	task.clear_ibuf [dreg:s10], $0x8FFFF;
	_ =	strace $0x90000046  }
0xb8: {  	s29 =	simm.s32 $0x9;
	_ =	strace $0x80000048  }
0xb9: {  	_ =	swait.ge [sflag:s29], $0x1  }
0xba: {  	[sflag:s29] =	ssyncadd.s32 $0xFFFFFFFF  }
0xbb: {  	_ =	strace $0x90000048  }
0xbc: {  	_ =	sfence  }
0xbd: {  	s30 =	sld [smem:$0x0];
	_ =	sdelay $0x2  }
0xbe: {  	s31 =	sshll.u32 s1, $0xD;
	s1 =	sshrl.u32 s1, $0x2  }
0xbf: {  	s3 =	sand.u32 $0x4000, s31;
	s1 =	sadd.s32 s1, s30  }
0xc0: {  	s0 =	sor.u32 s3, s0;
	s1 =	sshll.u32 s1, $0x11  }
0xc1: {  	s0 =	sor.u32 s1, s0  }
0xc2: {  	s0 =	sadd.s32 $0x8F2B, s0  }
0xc3: {  	[sflag:s0] =	ssyncadd.remote.s32 $0x1  }
0xc4: {  	_ =	sfence.sel $0xFFFF  }
0xc5: {  	[dreg:$0x0] =	wrdreg $0xFFFFFFFF;
	(pc) =	sbr.abs _section_cstart, $3  }
0xc6: {  	[dreg:$0x1] =	wrdreg $0xFFFFFFFF  }
0xc7: {  	_ =	task.clear_ibuf [dreg:s10], $0x2FFFF;
	_ =	strace $0x9FFFFFFF  }
0xc8: {  	(tm) =	ssettm $0x7FFFFFFF  }
0xc9: {  	_ =	shalt  }
tec
execute0_lowered:
.L_overlay_start_1:
0x0: {  	(tag) =	ssettag $0x1  }
0x1: {  	s0 =	rddreg [dreg:$0x0]  }
0x2: {  	s1 =	rddreg [dreg:$0x1]  }
0x3: {  	s2 =	rddreg [dreg:$0x2]  }
0x4: {  	s5 =	rddreg [dreg:$0x3];
	s4 =	srdreg.scid  }
0x5: {  	s3 =	rddreg [dreg:$0x4];
	s13 =	stileid.u32  }
0x6: {  	s28 =	simm.s32 $0x3A00;
	s29 =	simm.s32 $0x1;
	s7 =	smul.u32 $0x4E000, s13  }
0x7: {  	s30 =	simm.s32 $0x7200;
	s31 =	simm.s32 $0x7280;
	s10 =	smul.u32 $0x270, s13  }
0x8: {  	s6 =	sand.u32 $0x1, s4;
	s4 =	simm.s32 $0x0;
	s19 =	smul.u32 $0x2710, s13  }
0x9: {  	s18 =	sshll.u32 s13, $0x6;
	s20 =	sadd.s32 $0x138000, s3;
	s26 =	smul.u32 $0x4E2, s13  }
0xa: {  	p0 =	sne.s32 s13, $0xF;
	s9 =	smul.u32 $0x2710, s6;
	[smem:$0x7FF] =	sst s4  }
0xb: {  	s8 =	ssub.s32 $0x2, s6;
	s6 =	smul.u32 $0x138800, s6;
	_ =	strace $0x80000047  }
0xc: {  	s11 =	sshrl.u32 s8, $0x1;
	s7 =	sshrl.u32 s7, $0x2;
	[dreg:$0x8] =	wrdreg s20  }
0xd: {  	s20 =	sadd.s32 s26, s1;
	s10 =	sadd.s32 s10, s9;
	s8 =	ssub.s32 s8, s11  }
0xe: {  	s7 =	sadd.s32 s7, s3;
	s6 =	sshrl.u32 s6, $0x3;
	s11 =	sshrl.u32 s19, $0x3  }
0xf: {  	s19 =	sadd.s32 s26, s2;
	s26 =	simm.s32 $0x3980;
	v0 =	vmov s9;
	s9 =	simm.s32 $0x20  }
0x10: {  	[dreg:$0x6] =	wrdreg s7;
	s10 =	sshll.u32 s10, $0x4;
	s7 =	sor.u32 $0x1C04, s18  }
0x11: {  	s6 =	sadd.s32 $0x27000, s6;
	s22 =	sadd.s32 s1, s11;
	s23 =	sadd.s32 s2, s11  }
0x12: {  	s24 =	sadd.s32 $0xE, s11;
	s11 =	sadd.s32 $0x4DE, s11;
	[dreg:$0xa] =	wrdreg s22  }
0x13: {  	s18 =	smax.u32 s8, $0x1;
	s12 =	sadd.s32 s0, s10;
	[dreg:$0xb] =	wrdreg s23  }
0x14: {  	s8 =	simm.s32 $0xAB80;
	s21 =	sadd.s32 s0, s6;
	[dreg:$0x7] =	wrdreg s12  }
0x15: {  	s14 =	sadd.s32 s1, s24;
	s25 =	sadd.s32 s1, s11;
	[dreg:$0x9] =	wrdreg s21  }
0x16: {  	s11 =	sadd.s32 s2, s11;
	s10 =	sadd.s32 s5, s10;
	[dreg:$0xc] =	wrdreg s14  }
0x17: {  	s5 =	sadd.s32 s5, s6;
	s22 =	simm.s32 $0x80;
	[dreg:$0xe] =	wrdreg s25  }
0x18: {  	s23 =	simm.s32 $0x70;
	s1 =	simm.s32 $0x7300;
	[dreg:$0xf] =	wrdreg s11  }
0x19: {  	s6 =	simm.s32 $0xAB00;
	s12 =	sadd.s32 s2, s24;
	[dreg:$0x10] =	wrdreg s10  }
0x1a: {  	[dreg:$0x11] =	wrdreg s5;
	s21 =	simm.s32 $0x4;
	s24 =	simm.s32 $0x100  }
0x1b: {  	s25 =	simm.s32 $0x3900;
	s2 =	simm.s32 $0x2;
	s5 =	simm.s32 $0x3  }
0x1c: {  	s10 =	simm.s32 $0xAC00;
	s11 =	simm.s32 $0x0;
	[dreg:$0xd] =	wrdreg s12  }
.LBB2_1:
0x1d: {  	s12 =	rddreg [dreg:$0x6]  }
0x1e: {  	s13 =	rddreg [dreg:$0x7];
	s12 =	sshrl.u32 s12, $0x3  }
0x1f: {  	[spmem:s12], [sflag:s7] =	dma.local [hbm:s13], $0x2700  }
0x20: {  	_ =	swait.ge [sflag:s21], $0x2700  }
0x21: {  	[sflag:s21] =	ssyncset.done $0x0;
	s13 =	rddreg [dreg:$0x8]  }
0x22: {  	s14 =	rddreg [dreg:$0x9];
	[sflag:s21] =	ssyncadd.s32 $0xFFFFD900;
	s13 =	sshrl.u32 @!p0 s13, $0x3  }
0x23: {  	[spmem:s13], [sflag:s7] =	dma.local @!p0 [hbm:s14], $0x100  }
0x24: {  	s14 =	simm.s32 @!p0 $0x4  }
0x25: {  	_ =	swait.ge @!p0 [sflag:s14], $0x100  }
0x26: {  	[sflag:s14] =	ssyncset.done @!p0 $0x0  }
0x27: {  	[sflag:s14] =	ssyncadd.s32 @!p0 $0xFFFFFF00  }
0x28: {  	[bflag:$0x0] =	sbarrier.arrive $0xFFFF  }
0x29: {  	s16 =	rddreg [dreg:$0xa]  }
0x2a: {  	[tilespmem:s4], [sflag:$0x4] =	stream.linear.gather [hbm4b:s16+s4], $0x70, $0x38;
	[tilespmem:$0x1F480] =	vst v63  }
0x2b: {  	_ =	swait.ge [sflag:s21], $0x70  }
0x2c: {  	[sflag:s21] =	ssyncset.done $0x0  }
0x2d: {  	s17 =	rddreg [dreg:$0xb];
	[sflag:s21] =	ssyncadd.s32 $0xFFFFFF90  }
0x2e: {  	[tilespmem:s22], [sflag:$0x4] =	stream.linear.gather [hbm4b:s17+s4], $0x70, $0x38;
	[tilespmem:$0x1F480] =	vst v63  }
0x2f: {  	_ =	swait.ge [sflag:s21], $0x70  }
0x30: {  	[sflag:s21] =	ssyncset.done $0x0  }
0x31: {  	[sflag:s21] =	ssyncadd.s32 $0xFFFFFF90  }
0x32: {  	v1 =	vld [tilespmem:$0x0]  }
0x33: {  	v2 =	vld [tilespmem:$0x10]  }
0x34: {  	v3 =	vld [tilespmem:$0x20]  }
0x35: {  	v4 =	vld [tilespmem:$0x30]  }
0x36: {  	v5 =	vld [tilespmem:$0x40]  }
0x37: {  	v6 =	vld [tilespmem:$0x50];
	v1 =	vadd.s32 v0, v1  }
0x38: {  	[tilespmem:$0x0] =	vst v1;
	v1 =	vadd.s32 v0, v2;
	v2 =	vld [tilespmem:$0x60]  }
0x39: {  	[tilespmem:$0x10] =	vst v1;
	v1 =	vadd.s32 v0, v3  }
0x3a: {  	[tilespmem:$0x20] =	vst v1;
	v1 =	vadd.s32 v0, v4  }
0x3b: {  	[tilespmem:$0x30] =	vst v1;
	v1 =	vadd.s32 v0, v5  }
0x3c: {  	[tilespmem:$0x40] =	vst v1;
	v1 =	vadd.s32 v0, v6  }
0x3d: {  	[tilespmem:$0x50] =	vst v1;
	v1 =	vadd.s32 v0, v2  }
0x3e: {  	[tilespmem:$0x60] =	vst v1  }
0x3f: {  	[tilespmem:s24], [sflag:$0x1] =	stream.indirect.gather [hbm4b:s0+s23], $0x80, s4, s23, $0xb8;
	[tilespmem:$0x1F480] =	vst v63  }
0x40: {  	s15 =	rddreg [dreg:$0xc]  }
0x41: {  	[tilespmem:s25], [sflag:$0x4] =	stream.linear.gather [hbm4b:s15+s4], $0x70, $0x38;
	[tilespmem:$0x1F480] =	vst v63  }
0x42: {  	_ =	swait.ge [sflag:s21], $0x70  }
0x43: {  	[sflag:s21] =	ssyncset.done $0x0  }
0x44: {  	s16 =	rddreg [dreg:$0xd];
	[sflag:s21] =	ssyncadd.s32 $0xFFFFFF90  }
0x45: {  	[tilespmem:s26], [sflag:$0x4] =	stream.linear.gather [hbm4b:s16+s4], $0x70, $0x38;
	[tilespmem:$0x1F480] =	vst v63  }
0x46: {  	_ =	swait.ge [sflag:s21], $0x70  }
0x47: {  	[sflag:s21] =	ssyncset.done $0x0  }
0x48: {  	[sflag:s21] =	ssyncadd.s32 $0xFFFFFF90  }
0x49: {  	v1 =	vld [tilespmem:$0x3900]  }
0x4a: {  	v2 =	vld [tilespmem:$0x3910]  }
0x4b: {  	v3 =	vld [tilespmem:$0x3920]  }
0x4c: {  	v4 =	vld [tilespmem:$0x3930]  }
0x4d: {  	v5 =	vld [tilespmem:$0x3940]  }
0x4e: {  	v6 =	vld [tilespmem:$0x3950];
	v1 =	vadd.s32 v0, v1  }
0x4f: {  	[tilespmem:$0x3900] =	vst v1;
	v1 =	vadd.s32 v0, v2;
	v2 =	vld [tilespmem:$0x3960]  }
0x50: {  	[tilespmem:$0x3910] =	vst v1;
	v1 =	vadd.s32 v0, v3  }
0x51: {  	[tilespmem:$0x3920] =	vst v1;
	v1 =	vadd.s32 v0, v4  }
0x52: {  	[tilespmem:$0x3930] =	vst v1;
	v1 =	vadd.s32 v0, v5  }
0x53: {  	[tilespmem:$0x3940] =	vst v1;
	v1 =	vadd.s32 v0, v6  }
0x54: {  	[tilespmem:$0x3950] =	vst v1;
	v1 =	vadd.s32 v0, v2  }
0x55: {  	[tilespmem:$0x3960] =	vst v1  }
0x56: {  	[tilespmem:s28], [sflag:$0x2] =	stream.indirect.gather [hbm4b:s0+s23], $0x80, s25, s23, $0xb8;
	[tilespmem:$0x1F480] =	vst v63  }
0x57: {  	_ =	swait.ge [sflag:s29], $0x3800  }
0x58: {  	s14 =	sadd.s32 $0x0, s20;
	[sflag:s29] =	ssyncset.done $0x0  }
0x59: {  	s15 =	sadd.s32 $0x1C, s14;
	[sflag:s29] =	ssyncadd.s32 $0xFFFFC800  }
0x5a: {  	[tilespmem:s30], [sflag:$0x4] =	stream.linear.gather [hbm4b:s15+s4], $0x70, $0x38;
	[tilespmem:$0x1F480] =	vst v63  }
0x5b: {  	_ =	swait.ge [sflag:s21], $0x70  }
0x5c: {  	s15 =	sadd.s32 $0x0, s19;
	[sflag:s21] =	ssyncset.done $0x0  }
0x5d: {  	s16 =	sadd.s32 $0x1C, s15;
	[sflag:s21] =	ssyncadd.s32 $0xFFFFFF90  }
0x5e: {  	[tilespmem:s31], [sflag:$0x4] =	stream.linear.gather [hbm4b:s16+s4], $0x70, $0x38;
	[tilespmem:$0x1F480] =	vst v63  }
0x5f: {  	_ =	swait.ge [sflag:s21], $0x70  }
0x60: {  	[sflag:s21] =	ssyncset.done $0x0  }
0x61: {  	[sflag:s21] =	ssyncadd.s32 $0xFFFFFF90  }
0x62: {  	v1 =	vld [tilespmem:$0x7250]  }
0x63: {  	v2 =	vld [tilespmem:$0x7230]  }
0x64: {  	v3 =	vld [tilespmem:$0x7210]  }
0x65: {  	v5 =	vld [tilespmem:$0x7200]  }
0x66: {  	v4 =	vld [tilespmem:$0x7260]  }
0x67: {  	v6 =	vld [tilespmem:$0x7220];
	v1 =	vadd.s32 v0, v1  }
0x68: {  	v7 =	vld [tilespmem:$0x7240];
	v2 =	vadd.s32 v0, v2;
	[tilespmem:$0x7250] =	vst v1  }
0x69: {  	v1 =	vadd.s32 v0, v3;
	[tilespmem:$0x7230] =	vst v2  }
0x6a: {  	v2 =	vadd.s32 v0, v5;
	[tilespmem:$0x7210] =	vst v1  }
0x6b: {  	v1 =	vadd.s32 v0, v4;
	[tilespmem:$0x7200] =	vst v2  }
0x6c: {  	[tilespmem:$0x7260] =	vst v1;
	v1 =	vadd.s32 v0, v6  }
0x6d: {  	[tilespmem:$0x7220] =	vst v1;
	v1 =	vadd.s32 v0, v7  }
0x6e: {  	[tilespmem:$0x7240] =	vst v1  }
0x6f: {  	[tilespmem:s1], [sflag:$0x3] =	stream.indirect.gather [hbm4b:s0+s23], $0x80, s30, s23, $0xb8;
	[tilespmem:$0x1F480] =	vst v63  }
0x70: {  	_ = 	snop  }
0x71: {  	[spmem:s3] =	stream.indirect.scatter.add.f32 [tilespmem:s24], [sflag:$0x4], $0x80, s22, s23, $0xb8;
	[tilespmem:$0x1F480] =	vst v63  }
0x72: {  	_ =	swait.ge [sflag:s21], $0x3800  }
0x73: {  	[sflag:s21] =	ssyncset.done $0x0  }
0x74: {  	[sflag:s21] =	ssyncadd.s32 $0xFFFFC800  }
0x75: {  	_ =	swait.ge [sflag:s2], $0x3800  }
0x76: {  	[sflag:s2] =	ssyncset.done $0x0  }
0x77: {  	s17 =	sadd.s32 $0x2A, s14;
	[sflag:s2] =	ssyncadd.s32 $0xFFFFC800  }
0x78: {  	[tilespmem:s4], [sflag:$0x4] =	stream.linear.gather [hbm4b:s17+s4], $0x70, $0x38;
	[tilespmem:$0x1F480] =	vst v63  }
0x79: {  	_ =	swait.ge [sflag:s21], $0x70  }
0x7a: {  	[sflag:s21] =	ssyncset.done $0x0  }
0x7b: {  	s17 =	sadd.s32 $0x2A, s15;
	[sflag:s21] =	ssyncadd.s32 $0xFFFFFF90  }
0x7c: {  	[tilespmem:s22], [sflag:$0x4] =	stream.linear.gather [hbm4b:s17+s4], $0x70, $0x38;
	[tilespmem:$0x1F480] =	vst v63  }
0x7d: {  	_ =	swait.ge [sflag:s21], $0x70  }
0x7e: {  	[sflag:s21] =	ssyncset.done $0x0  }
0x7f: {  	[sflag:s21] =	ssyncadd.s32 $0xFFFFFF90  }
0x80: {  	v4 =	vld [tilespmem:$0x0]  }
0x81: {  	v3 =	vld [tilespmem:$0x10]  }
0x82: {  	v1 =	vld [tilespmem:$0x30]  }
0x83: {  	s16 =	simm.s32 $0x2A;
	v2 =	vld [tilespmem:$0x50]  }
.LBB2_2:
0x84: {  	p1 =	sne.s32 s16, $0x498;
	v5 =	vld [tilespmem:$0x40];
	s17 =	smov.u32 s16;
	s16 =	sadd.s32 $0x2A, s16  }
0x85: {  	v4 =	vadd.s32 v0, v4  }
0x86: {  	[tilespmem:$0x0] =	vst v4;
	v3 =	vadd.s32 v0, v3  }
0x87: {  	[tilespmem:$0x10] =	vst v3;
	v3 =	vld [tilespmem:$0x60]  }
0x88: {  	v1 =	vadd.s32 v0, v1;
	v4 =	vld [tilespmem:$0x20];
	v2 =	vadd.s32 v0, v2  }
0x89: {  	[tilespmem:$0x30] =	vst v1;
	v1 =	vadd.s32 v0, v5  }
0x8a: {  	[tilespmem:$0x50] =	vst v2  }
0x8b: {  	[tilespmem:$0x40] =	vst v1  }
0x8c: {  	v1 =	vadd.s32 v0, v3  }
0x8d: {  	v2 =	vadd.s32 v0, v4;
	[tilespmem:$0x60] =	vst v1  }
0x8e: {  	[tilespmem:$0x20] =	vst v2  }
0x8f: {  	[tilespmem:s24], [sflag:$0x1] =	stream.indirect.gather [hbm4b:s0+s23], $0x80, s4, s23, $0xb8;
	[tilespmem:$0x1F480] =	vst v63  }
0x90: {  	_ = 	snop  }
0x91: {  	[spmem:s3] =	stream.indirect.scatter.add.f32 [tilespmem:s28], [sflag:$0x4], $0x80, s26, s23, $0xb8;
	[tilespmem:$0x1F480] =	vst v63  }
0x92: {  	_ =	swait.ge [sflag:s21], $0x3800  }
0x93: {  	[sflag:s21] =	ssyncset.done $0x0  }
0x94: {  	[sflag:s21] =	ssyncadd.s32 $0xFFFFC800  }
0x95: {  	_ =	swait.ge [sflag:s5], $0x3800  }
0x96: {  	[sflag:s5] =	ssyncset.done $0x0  }
0x97: {  	s14 =	sadd.s32 $0x38, s14;
	[sflag:s5] =	ssyncadd.s32 $0xFFFFC800  }
0x98: {  	[tilespmem:s25], [sflag:$0x4] =	stream.linear.gather [hbm4b:s14+s4], $0x70, $0x38;
	[tilespmem:$0x1F480] =	vst v63  }
0x99: {  	_ =	swait.ge [sflag:s21], $0x70  }
0x9a: {  	[sflag:s21] =	ssyncset.done $0x0  }
0x9b: {  	s14 =	sadd.s32 $0x38, s15;
	[sflag:s21] =	ssyncadd.s32 $0xFFFFFF90  }
0x9c: {  	[tilespmem:s26], [sflag:$0x4] =	stream.linear.gather [hbm4b:s14+s4], $0x70, $0x38;
	[tilespmem:$0x1F480] =	vst v63  }
0x9d: {  	_ =	swait.ge [sflag:s21], $0x70  }
0x9e: {  	[sflag:s21] =	ssyncset.done $0x0  }
0x9f: {  	[sflag:s21] =	ssyncadd.s32 $0xFFFFFF90  }
0xa0: {  	v1 =	vld [tilespmem:$0x3900]  }
0xa1: {  	v2 =	vld [tilespmem:$0x3910]  }
0xa2: {  	v3 =	vld [tilespmem:$0x3920]  }
0xa3: {  	v4 =	vld [tilespmem:$0x3930]  }
0xa4: {  	v5 =	vld [tilespmem:$0x3950]  }
0xa5: {  	v1 =	vadd.s32 v0, v1;
	v6 =	vld [tilespmem:$0x3960]  }
0xa6: {  	[tilespmem:$0x3900] =	vst v1;
	v1 =	vadd.s32 v0, v2;
	v2 =	vld [tilespmem:$0x3940]  }
0xa7: {  	[tilespmem:$0x3910] =	vst v1;
	v1 =	vadd.s32 v0, v3  }
0xa8: {  	[tilespmem:$0x3920] =	vst v1;
	v1 =	vadd.s32 v0, v4  }
0xa9: {  	[tilespmem:$0x3930] =	vst v1;
	v1 =	vadd.s32 v0, v5  }
0xaa: {  	[tilespmem:$0x3950] =	vst v1;
	v1 =	vadd.s32 v0, v6  }
0xab: {  	v2 =	vadd.s32 v0, v2;
	[tilespmem:$0x3960] =	vst v1  }
0xac: {  	[tilespmem:$0x3940] =	vst v2  }
0xad: {  	[tilespmem:s28], [sflag:$0x2] =	stream.indirect.gather [hbm4b:s0+s23], $0x80, s25, s23, $0xb8;
	[tilespmem:$0x1F480] =	vst v63  }
0xae: {  	_ = 	snop  }
0xaf: {  	[spmem:s3] =	stream.indirect.scatter.add.f32 [tilespmem:s1], [sflag:$0x4], $0x80, s31, s23, $0xb8;
	[tilespmem:$0x1F480] =	vst v63  }
0xb0: {  	_ =	swait.ge [sflag:s21], $0x3800  }
0xb1: {  	[sflag:s21] =	ssyncset.done $0x0  }
0xb2: {  	[sflag:s21] =	ssyncadd.s32 $0xFFFFC800  }
0xb3: {  	_ =	swait.ge [sflag:s29], $0x3800  }
0xb4: {  	s14 =	sadd.s32 s17, s20;
	[sflag:s29] =	ssyncset.done $0x0  }
0xb5: {  	s15 =	sadd.s32 $0x1C, s14;
	[sflag:s29] =	ssyncadd.s32 $0xFFFFC800  }
0xb6: {  	[tilespmem:s30], [sflag:$0x4] =	stream.linear.gather [hbm4b:s15+s4], $0x70, $0x38;
	[tilespmem:$0x1F480] =	vst v63  }
0xb7: {  	_ =	swait.ge [sflag:s21], $0x70  }
0xb8: {  	s15 =	sadd.s32 s17, s19;
	[sflag:s21] =	ssyncset.done $0x0  }
0xb9: {  	s17 =	sadd.s32 $0x1C, s15;
	[sflag:s21] =	ssyncadd.s32 $0xFFFFFF90  }
0xba: {  	[tilespmem:s31], [sflag:$0x4] =	stream.linear.gather [hbm4b:s17+s4], $0x70, $0x38;
	[tilespmem:$0x1F480] =	vst v63  }
0xbb: {  	_ =	swait.ge [sflag:s21], $0x70  }
0xbc: {  	[sflag:s21] =	ssyncset.done $0x0  }
0xbd: {  	[sflag:s21] =	ssyncadd.s32 $0xFFFFFF90  }
0xbe: {  	v1 =	vld [tilespmem:$0x7250]  }
0xbf: {  	v2 =	vld [tilespmem:$0x7230]  }
0xc0: {  	v3 =	vld [tilespmem:$0x7210]  }
0xc1: {  	v4 =	vld [tilespmem:$0x7260]  }
0xc2: {  	v5 =	vld [tilespmem:$0x7200]  }
0xc3: {  	v6 =	vld [tilespmem:$0x7220];
	v1 =	vadd.s32 v0, v1  }
0xc4: {  	v2 =	vadd.s32 v0, v2;
	v7 =	vld [tilespmem:$0x7240];
	[tilespmem:$0x7250] =	vst v1  }
0xc5: {  	v1 =	vadd.s32 v0, v3;
	[tilespmem:$0x7230] =	vst v2  }
0xc6: {  	[tilespmem:$0x7210] =	vst v1;
	v1 =	vadd.s32 v0, v4  }
0xc7: {  	v2 =	vadd.s32 v0, v5;
	[tilespmem:$0x7260] =	vst v1  }
0xc8: {  	[tilespmem:$0x7200] =	vst v2;
	v1 =	vadd.s32 v0, v6  }
0xc9: {  	[tilespmem:$0x7220] =	vst v1;
	v1 =	vadd.s32 v0, v7  }
0xca: {  	[tilespmem:$0x7240] =	vst v1  }
0xcb: {  	[tilespmem:s1], [sflag:$0x3] =	stream.indirect.gather [hbm4b:s0+s23], $0x80, s30, s23, $0xb8;
	[tilespmem:$0x1F480] =	vst v63  }
0xcc: {  	_ = 	snop  }
0xcd: {  	[spmem:s3] =	stream.indirect.scatter.add.f32 [tilespmem:s24], [sflag:$0x4], $0x80, s22, s23, $0xb8;
	[tilespmem:$0x1F480] =	vst v63  }
0xce: {  	_ =	swait.ge [sflag:s21], $0x3800  }
0xcf: {  	[sflag:s21] =	ssyncset.done $0x0  }
0xd0: {  	[sflag:s21] =	ssyncadd.s32 $0xFFFFC800  }
0xd1: {  	_ =	swait.ge [sflag:s2], $0x3800  }
0xd2: {  	[sflag:s2] =	ssyncset.done $0x0  }
0xd3: {  	s17 =	sadd.s32 $0x2A, s14;
	[sflag:s2] =	ssyncadd.s32 $0xFFFFC800  }
0xd4: {  	[tilespmem:s4], [sflag:$0x4] =	stream.linear.gather [hbm4b:s17+s4], $0x70, $0x38;
	[tilespmem:$0x1F480] =	vst v63  }
0xd5: {  	_ =	swait.ge [sflag:s21], $0x70  }
0xd6: {  	[sflag:s21] =	ssyncset.done $0x0  }
0xd7: {  	s17 =	sadd.s32 $0x2A, s15;
	[sflag:s21] =	ssyncadd.s32 $0xFFFFFF90  }
0xd8: {  	[tilespmem:s22], [sflag:$0x4] =	stream.linear.gather [hbm4b:s17+s4], $0x70, $0x38;
	[tilespmem:$0x1F480] =	vst v63  }
0xd9: {  	_ =	swait.ge [sflag:s21], $0x70  }
0xda: {  	[sflag:s21] =	ssyncset.done $0x0  }
.Ltmp0:
0xdb: {  	[sflag:s21] =	ssyncadd.s32 $0xFFFFFF90;
	(pc) =	sbr.rel @p1 .LBB2_2-.Ltmp0, $4  }
0xdc: {  	v4 =	vld [tilespmem:$0x0]  }
0xdd: {  	v3 =	vld [tilespmem:$0x10]  }
0xde: {  	v1 =	vld [tilespmem:$0x30]  }
0xdf: {  	v2 =	vld [tilespmem:$0x50]  }
0xe0: {  	v5 =	vld [tilespmem:$0x40]  }
0xe1: {  	v60 =	vld [tilespmem:$0x20];
	v4 =	vadd.s32 v0, v4  }
0xe2: {  	v6 =	vld [tilespmem:$0x60];
	[tilespmem:$0x0] =	vst v4;
	v3 =	vadd.s32 v0, v3  }
0xe3: {  	[tilespmem:$0x10] =	vst v3;
	v1 =	vadd.s32 v0, v1  }
0xe4: {  	v2 =	vadd.s32 v0, v2;
	[tilespmem:$0x30] =	vst v1  }
0xe5: {  	v1 =	vadd.s32 v0, v5;
	[tilespmem:$0x50] =	vst v2  }
0xe6: {  	v2 =	vadd.s32 v0, v60;
	[tilespmem:$0x40] =	vst v1  }
0xe7: {  	v1 =	vadd.s32 v0, v6;
	[tilespmem:$0x20] =	vst v2  }
0xe8: {  	[tilespmem:$0x60] =	vst v1  }
0xe9: {  	[tilespmem:s24], [sflag:$0x1] =	stream.indirect.gather [hbm4b:s0+s23], $0x80, s4, s23, $0xb8;
	[tilespmem:$0x1F480] =	vst v63  }
0xea: {  	_ = 	snop  }
0xeb: {  	[spmem:s3] =	stream.indirect.scatter.add.f32 [tilespmem:s28], [sflag:$0x4], $0x80, s26, s23, $0xb8;
	[tilespmem:$0x1F480] =	vst v63  }
0xec: {  	_ =	swait.ge [sflag:s21], $0x3800  }
0xed: {  	[sflag:s21] =	ssyncset.done $0x0  }
0xee: {  	[sflag:s21] =	ssyncadd.s32 $0xFFFFC800  }
0xef: {  	_ =	swait.ge [sflag:s5], $0x3800  }
0xf0: {  	[sflag:s5] =	ssyncset.done $0x0  }
0xf1: {  	s14 =	sadd.s32 $0x38, s14;
	[sflag:s5] =	ssyncadd.s32 $0xFFFFC800  }
0xf2: {  	[tilespmem:s25], [sflag:$0x4] =	stream.linear.gather [hbm4b:s14+s4], $0x70, $0x38;
	[tilespmem:$0x1F480] =	vst v63  }
0xf3: {  	_ =	swait.ge [sflag:s21], $0x70  }
0xf4: {  	[sflag:s21] =	ssyncset.done $0x0  }
0xf5: {  	s17 =	sadd.s32 $0x38, s15;
	[sflag:s21] =	ssyncadd.s32 $0xFFFFFF90  }
0xf6: {  	[tilespmem:s26], [sflag:$0x4] =	stream.linear.gather [hbm4b:s17+s4], $0x70, $0x38;
	[tilespmem:$0x1F480] =	vst v63  }
0xf7: {  	_ =	swait.ge [sflag:s21], $0x70  }
0xf8: {  	[sflag:s21] =	ssyncset.done $0x0  }
0xf9: {  	[sflag:s21] =	ssyncadd.s32 $0xFFFFFF90  }
0xfa: {  	v1 =	vld [tilespmem:$0x3900]  }
0xfb: {  	v2 =	vld [tilespmem:$0x3910]  }
0xfc: {  	v3 =	vld [tilespmem:$0x3920]  }
0xfd: {  	v61 =	vld [tilespmem:$0x3930]  }
0xfe: {  	v62 =	vld [tilespmem:$0x3950]  }
0xff: {  	v63 =	vld [tilespmem:$0x3960];
	v1 =	vadd.s32 v0, v1  }
0x100: {  	[tilespmem:$0x3900] =	vst v1;
	v1 =	vadd.s32 v0, v2;
	v2 =	vld [tilespmem:$0x3940]  }
0x101: {  	[tilespmem:$0x3910] =	vst v1;
	v1 =	vadd.s32 v0, v3  }
0x102: {  	[tilespmem:$0x3920] =	vst v1;
	v1 =	vadd.s32 v0, v61  }
0x103: {  	[tilespmem:$0x3930] =	vst v1;
	v1 =	vadd.s32 v0, v62  }
0x104: {  	[tilespmem:$0x3950] =	vst v1;
	v1 =	vadd.s32 v0, v63  }
0x105: {  	v2 =	vadd.s32 v0, v2;
	[tilespmem:$0x3960] =	vst v1  }
0x106: {  	[tilespmem:$0x3940] =	vst v2  }
0x107: {  	[tilespmem:s28], [sflag:$0x2] =	stream.indirect.gather [hbm4b:s0+s23], $0x80, s25, s23, $0xb8;
	[tilespmem:$0x1F480] =	vst v63  }
0x108: {  	_ = 	snop  }
0x109: {  	[spmem:s3] =	stream.indirect.scatter.add.f32 [tilespmem:s1], [sflag:$0x4], $0x80, s31, s23, $0xb8;
	[tilespmem:$0x1F480] =	vst v63  }
0x10a: {  	_ =	swait.ge [sflag:s21], $0x3800  }
0x10b: {  	[sflag:s21] =	ssyncset.done $0x0  }
0x10c: {  	[sflag:s21] =	ssyncadd.s32 $0xFFFFC800  }
0x10d: {  	_ =	swait.ge [sflag:s29], $0x3800  }
0x10e: {  	[sflag:s29] =	ssyncset.done $0x0  }
0x10f: {  	[sflag:s29] =	ssyncadd.s32 $0xFFFFC800  }
0x110: {  	[spmem:s3] =	stream.indirect.scatter.add.f32 [tilespmem:s24], [sflag:$0x4], $0x80, s22, s23, $0xb8;
	[tilespmem:$0x1F480] =	vst v63  }
0x111: {  	_ =	swait.ge [sflag:s21], $0x3800  }
0x112: {  	[sflag:s21] =	ssyncset.done $0x0  }
0x113: {  	[sflag:s21] =	ssyncadd.s32 $0xFFFFC800  }
0x114: {  	_ =	swait.ge [sflag:s2], $0x3800  }
0x115: {  	[sflag:s2] =	ssyncset.done $0x0  }
0x116: {  	[sflag:s2] =	ssyncadd.s32 $0xFFFFC800  }
0x117: {  	[spmem:s3] =	stream.indirect.scatter.add.f32 [tilespmem:s28], [sflag:$0x4], $0x80, s26, s23, $0xb8;
	[tilespmem:$0x1F480] =	vst v63  }
0x118: {  	_ =	swait.ge [sflag:s21], $0x3800  }
0x119: {  	[sflag:s21] =	ssyncset.done $0x0  }
0x11a: {  	s15 =	rddreg [dreg:$0xe];
	[sflag:s21] =	ssyncadd.s32 $0xFFFFC800  }
0x11b: {  	[tilespmem:s6], [sflag:$0x4] =	stream.linear.gather [hbm4b:s15+s4], $0x20, $0x38;
	[tilespmem:$0x1F480] =	vst v63  }
0x11c: {  	_ =	swait.ge [sflag:s21], $0x20  }
0x11d: {  	[sflag:s21] =	ssyncset.done $0x0  }
0x11e: {  	s16 =	rddreg [dreg:$0xf];
	[sflag:s21] =	ssyncadd.s32 $0xFFFFFFE0  }
0x11f: {  	[tilespmem:s8], [sflag:$0x4] =	stream.linear.gather [hbm4b:s16+s4], $0x20, $0x38;
	[tilespmem:$0x1F480] =	vst v63  }
0x120: {  	_ =	swait.ge [sflag:s21], $0x20  }
0x121: {  	[sflag:s21] =	ssyncset.done $0x0  }
0x122: {  	[sflag:s21] =	ssyncadd.s32 $0xFFFFFFE0  }
0x123: {  	v1 =	vld [tilespmem:$0xAB00]  }
0x124: {  	v2 =	vld [tilespmem:$0xAB10];
	_ =	sdelay $0x3  }
0x125: {  	v1 =	vadd.s32 v0, v1  }
0x126: {  	[tilespmem:$0xAB00] =	vst v1;
	v1 =	vadd.s32 v0, v2  }
0x127: {  	[tilespmem:$0xAB10] =	vst v1  }
0x128: {  	[tilespmem:s10], [sflag:$0x1] =	stream.indirect.gather [hbm4b:s0+s9], $0x80, s6, s9, $0xb8;
	[tilespmem:$0x1F480] =	vst v63  }
0x129: {  	_ =	swait.ge [sflag:s29], $0x1000  }
0x12a: {  	[sflag:s29] =	ssyncset.done $0x0  }
0x12b: {  	[sflag:s29] =	ssyncadd.s32 $0xFFFFF000  }
0x12c: {  	[spmem:s3] =	stream.indirect.scatter.add.f32 [tilespmem:s10], [sflag:$0x4], $0x80, s8, s9, $0xb8;
	[tilespmem:$0x1F480] =	vst v63  }
0x12d: {  	_ =	swait.ge [sflag:s21], $0x1000  }
0x12e: {  	[sflag:s21] =	ssyncset.done $0x0  }
0x12f: {  	[sflag:s21] =	ssyncadd.s32 $0xFFFFF000  }
0x130: {  	[bflag:$0x0] =	sbarrier.arrive $0xFFFF  }
0x131: {  	s17 =	rddreg [dreg:$0x10]  }
0x132: {  	[hbm:s17], [sflag:s7] =	dma.local [spmem:s12], $0x2700  }
0x133: {  	_ =	swait.ge [sflag:s21], $0x2700  }
0x134: {  	s11 =	sadd.s32 $0x1, s11;
	[sflag:s21] =	ssyncset.done $0x0  }
0x135: {  	p1 =	sne.s32 s11, s18;
	s12 =	rddreg [dreg:$0x11];
	[sflag:s21] =	ssyncadd.s32 $0xFFFFD900  }
0x136: {  	[hbm:s12], [sflag:s7] =	dma.local @!p0 [spmem:s13], $0x100  }
.Ltmp1:
0x137: {  	_ = 	snop;
	(pc) =	sbr.rel @p1 .LBB2_1-.Ltmp1, $4  }
0x138: {  	s12 =	simm.s32 @!p0 $0x4  }
0x139: {  	_ =	swait.ge @!p0 [sflag:s12], $0x100  }
0x13a: {  	[sflag:s12] =	ssyncset.done @!p0 $0x0  }
0x13b: {  	[sflag:s12] =	ssyncadd.s32 @!p0 $0xFFFFFF00  }
0x13c: {  	_ =	sfence.sel $0x180000  }
0x13d: {  	[bflag:$0x0] =	sbarrier.arrive $0xFFFF  }
0x13e: {  	_ =	strace $0x90000047  }
0x13f: {  	s0 =	stileid.u32;
	[bflag:$0x2] =	sbarrier.arrive $0xFFFF  }
0x140: {  	p0 =	sne.s32 s0, $0x0;
	s0 =	rddreg [dreg:$0x5]  }
0x141: {  	s0 =	sadd.s32 @!p0 $0x100000, s0  }
0x142: {  	[sflag:s0] =	ssyncadd.tile.s32 @!p0 $0x1;
	_ =	shalt  }
.Lfunc_end2:
_tile_overlayer_lowered:
.L_overlay_start_2:
0x143: {  	(tag) =	ssettag $0x2  }
0x144: {  	s0 =	rddreg [dreg:$0x0];
	s2 =	stileid.u32  }
0x145: {  	s1 =	rddreg [dreg:$0x1];
	p0 =	sne.s32 s2, $0x0  }
0x146: {  	s3 =	rddreg [dreg:$0x2];
	[bflag:$0x3] =	sbarrier.arrive $0xFFFF;
	s2 =	simm.s32 @!p0 $0x1C04  }
0x147: {  	[timem:s3], [sflag:s2] =	dma.local @!p0 [hbm:s0], s1  }
0x148: {  	s0 =	simm.s32 @!p0 $0x4  }
0x149: {  	_ =	swait.ge @!p0 [sflag:s0], s1  }
0x14a: {  	s1 =	ssub.s32 @!p0 $0x0, s1;
	[sflag:s0] =	ssyncset.done @!p0 $0x0  }
0x14b: {  	[sflag:s0] =	ssyncadd.s32 @!p0 s1  }
0x14c: {  	[bflag:$0x3] =	sbarrier.arrive $0xFFFF  }
0x14d: {  	_ =	shalt  }

</sc_bundles>
